<compile_context>
chip_gen: v7x
topology: tpu7x:2x2x1
jax: 0.10.2.dev20260603
libtpu: 0.0.44.dev20260713+nightly
codegen_flags: <defaults>
</compile_context>

<pallas_src>
import jax
import jax.numpy as jnp
from jax import lax
from jax.experimental import pallas as pl
from jax.experimental.pallas import tpu as pltpu
from jax.experimental.pallas import tpu_sc as plsc

_NUM_WORKERS = 32
_CHUNK = 512
_HIST = 50
_BATCH = 16384
_DIM = 64
_BLKS_PER_H = _BATCH // _CHUNK
_N_CHUNKS = _HIST * _BLKS_PER_H // _NUM_WORKERS
_PER_W = _N_CHUNKS * _CHUNK


def _gather_body(table_hbm, idx_hbm, raw_hbm, idx_v, rows0, rows1, trans_v,
                 sg0, sg1, so):
    wid = lax.axis_index("s") * 2 + lax.axis_index("c")
    base = wid * _PER_W
    rows = (rows0, rows1)
    sg = (sg0, sg1)
    iota = lax.iota(jnp.int32, 16)

    pltpu.sync_copy(idx_hbm.at[pl.ds(base, _PER_W)], idx_v)

    def gather_start(c, b):
        pltpu.async_copy(
            table_hbm.at[idx_v.at[pl.ds(c * _CHUNK, _CHUNK)]], rows[b], sg[b])

    def gather_wait(b):
        pltpu.make_async_copy(
            table_hbm.at[idx_v.at[pl.ds(0, _CHUNK)]], rows[b], sg[b]).wait()

    def out_drain():
        for tr in range(8):
            pltpu.make_async_copy(
                trans_v.at[0], raw_hbm.at[0, 0, pl.ds(0, 4)], so).wait()

    gather_start(0, 0)

    @pl.loop(0, _N_CHUNKS, step=2)
    def _(k):
        for b in range(2):
            c = k + b
            g = wid * _N_CHUNKS + c
            h = g // _BLKS_PER_H
            blk = g % _BLKS_PER_H
            gather_wait(b)

            @pl.when(c + 1 < _N_CHUNKS)
            def _():
                gather_start(c + 1, 1 - b)

            @pl.when(c > 0)
            def _():
                out_drain()

            @pl.loop(0, 16)
            def _(k):
                dk = (iota + k) & 15
                dk3 = dk >> 3
                dik = dk & 7

                @pl.loop(0, 32, unroll=4)
                def _(B0):
                    rowv = iota + B0 * 16
                    biv = iota + (B0 & 7) * 16
                    tcv = jnp.zeros((16,), jnp.int32) + (B0 >> 3)
                    for D0 in (0, 16, 32, 48):
                        colv = dk + D0
                        trv = dk3 + (D0 >> 3)
                        val = plsc.load_gather(rows[b], [rowv, colv])
                        plsc.store_scatter(trans_v, [trv, tcv, dik, biv], val)

            for tr in range(8):
                pltpu.async_copy(
                    trans_v.at[tr],
                    raw_hbm.at[h, tr, pl.ds(blk * 4, 4)], so)

    out_drain()


@jax.jit
def _embedding_gather(table, idx):
    mesh = plsc.VectorSubcoreMesh(core_axis_name="c", subcore_axis_name="s")
    f = pl.kernel(
        _gather_body,
        out_type=jax.ShapeDtypeStruct((_HIST, 8, 128, 8, 128), jnp.float32),
        mesh=mesh,
        scratch_types=[
            pltpu.VMEM((_PER_W,), jnp.int32),
            pltpu.VMEM((_CHUNK, _DIM), jnp.float32),
            pltpu.VMEM((_CHUNK, _DIM), jnp.float32),
            pltpu.VMEM((8, 4, 8, 128), jnp.float32),
            pltpu.SemaphoreType.DMA,
            pltpu.SemaphoreType.DMA,
            pltpu.SemaphoreType.DMA,
        ],
        compiler_params=pltpu.CompilerParams(
            use_tc_tiling_on_sc=False, needs_layout_passes=False),
    )
    return f(table, idx)


def kernel(input_ids, table):
    idx = input_ids.astype(jnp.int32).T.reshape(-1)
    raw = _embedding_gather(table, idx)
    raw6 = raw.reshape(_HIST, 8, 128, 8, 128)
    out = raw6.transpose(2, 4, 0, 1, 3)
    return out.reshape(_BATCH, _HIST, _DIM)

# --- scband reference (transcript-rebuilt; emitter-appended) ---
"""Pipeline reference for scband-vocab-parallel-embedding-9672266350848 (READ-ONLY COPY).

The authoritative reference and input builder live on the scoring server;
editing this copy changes nothing except your own understanding.
"""

import jax, jax.numpy as jnp
import numpy as np

NUM_EMBEDDINGS = 1000000
EMBEDDING_DIM = 64
BATCH = 16384
HIST = 50


def setup_inputs(seed: int = 0) -> dict:
    key = jax.random.key(seed)
    k_idx, k_tab = jax.random.split(key)
    input_ids = jax.random.randint(k_idx, (BATCH, HIST), 0, NUM_EMBEDDINGS, dtype=jnp.int64 if jax.config.jax_enable_x64 else jnp.int32)
    table = jax.random.normal(k_tab, (NUM_EMBEDDINGS, EMBEDDING_DIM), dtype=jnp.float32)
    return {"input_ids": input_ids, "table": table}


def reference(input_ids, table):
    # nn.Embedding forward: gather rows of the embedding table by index
    return jnp.take(table, input_ids, axis=0)

if __name__ == "__main__":
    import jax
    _d = setup_inputs()
    print(jax.jit(kernel)(*tuple(_d.values())))

</pallas_src>

<mosaic_0001>
#map = affine_map<(d0, d1) -> (0, 0)>
#map1 = affine_map<(d0, d1) -> (0)>
#map2 = affine_map<(d0, d1) -> (0, 0, 0, 0, 0)>
module attributes {stable_mosaic.version = 14 : i64} {
  func.func @_gather_body(%arg0: i32, %arg1: i32, %arg2: memref<1000000x64xf32, #tpu.memory_space<hbm>>, %arg3: memref<819200xi32, #tpu.memory_space<hbm>>, %arg4: memref<50x8x128x8x128xf32, #tpu.memory_space<hbm>>, %arg5: memref<25600xi32, #tpu.memory_space<vmem>>, %arg6: memref<512x64xf32, #tpu.memory_space<vmem>>, %arg7: memref<512x64xf32, #tpu.memory_space<vmem>>, %arg8: memref<8x4x8x128xf32, #tpu.memory_space<vmem>>, %arg9: memref<!tpu.dma_semaphore, #tpu.memory_space<semaphore_mem>>, %arg10: memref<!tpu.dma_semaphore, #tpu.memory_space<semaphore_mem>>, %arg11: memref<!tpu.dma_semaphore, #tpu.memory_space<semaphore_mem>>) attributes {dimension_semantics = [#tpu.dimension_semantics<core_parallel>, #tpu.dimension_semantics<subcore_parallel>], iteration_bounds = array<i64: 2, 16>, scalar_prefetch = 0 : i64, scratch_operands = 7 : i64, tpu.core_type = #tpu.core_type<sc_vector_subcore>, window_params = [{transform_indices = #map}, {transform_indices = #map1}, {transform_indices = #map2}]} {
    %mul3A = arith.constant 2 : i32
    %mul3A_0 = arith.muli %arg1, %mul3A : i32
    %add3A = arith.addi %mul3A_0, %arg0 : i32
    %mul3A_1 = arith.constant 25600 : i32
    %mul3A_2 = arith.muli %add3A, %mul3A_1 : i32
    %iota3A = tpu.iota {dimensions = array<i32: 0>} : vector<16xi32>
    "tpu.region"() ({
      %run_scoped3A = tpu.sem_alloc : memref<!tpu.dma_semaphore, #tpu.memory_space<semaphore_mem>>
      %dma_start3A_194 = tpu.memref_slice %arg3[%mul3A_2] : memref<819200xi32, #tpu.memory_space<hbm>> -> memref<25600xi32, #tpu.memory_space<hbm>>
      %dma_start3A_195 = tpu.memref_slice %arg3[%mul3A_2] : memref<819200xi32, #tpu.memory_space<hbm>> -> memref<25600xi32, #tpu.memory_space<hbm>>
      tpu.enqueue_dma source(%dma_start3A_195 : memref<25600xi32, #tpu.memory_space<hbm>>) target(%arg5 : memref<25600xi32, #tpu.memory_space<vmem>>) target_semaphore(%run_scoped3A : memref<!tpu.dma_semaphore, #tpu.memory_space<semaphore_mem>>)
      %dma_wait3A_196 = tpu.memref_slice %arg3[%mul3A_2] : memref<819200xi32, #tpu.memory_space<hbm>> -> memref<25600xi32, #tpu.memory_space<hbm>>
      %dma_wait3A_197 = tpu.memref_slice %arg3[%mul3A_2] : memref<819200xi32, #tpu.memory_space<hbm>> -> memref<25600xi32, #tpu.memory_space<hbm>>
      tpu.wait_dma2 semaphore(%run_scoped3A : memref<!tpu.dma_semaphore, #tpu.memory_space<semaphore_mem>>) src(%dma_wait3A_197 : memref<25600xi32, #tpu.memory_space<hbm>>) dst(%arg5 : memref<25600xi32, #tpu.memory_space<vmem>>)
      tpu.yield
    }) : () -> ()
    %dma_start3A = arith.constant 0 : i32
    %dma_start3A_3 = tpu.memref_slice %arg5[%dma_start3A] : memref<25600xi32, #tpu.memory_space<vmem>> -> memref<512xi32, #tpu.memory_space<vmem>>
    %dma_start3A_4 = arith.constant 0 : i32
    %dma_start3A_5 = arith.constant 0 : i32
    %dma_start3A_6 = tpu.memref_slice %arg2[%dma_start3A_4, %dma_start3A_5] : memref<1000000x64xf32, #tpu.memory_space<hbm>> -> memref<1000000x64xf32, #tpu.memory_space<hbm>>
    tpu.enqueue_indirect_dma source(%dma_start3A_6 : memref<1000000x64xf32, #tpu.memory_space<hbm>>) target(%arg6 : memref<512x64xf32, #tpu.memory_space<vmem>>) offsets(%dma_start3A_3 : memref<512xi32, #tpu.memory_space<vmem>>) semaphore(%arg9 : memref<!tpu.dma_semaphore, #tpu.memory_space<semaphore_mem>>)
    %scan3A = arith.constant 0 : i32
    %scan3A_7 = arith.constant 25 : i32
    %scan3A_8 = arith.addi %scan3A, %scan3A_7 : i32
    %scan3A_9 = arith.constant 1 : i32
    scf.for %scan3A_194 = %scan3A to %scan3A_8 step %scan3A_9  : i32 {
      %mul3A_195 = arith.constant 2 : i32
      %mul3A_196 = arith.muli %scan3A_194, %mul3A_195 : i32
      %add3A_197 = arith.constant 0 : i32
      %add3A_198 = arith.addi %add3A_197, %mul3A_196 : i32
      %add3A_199 = arith.constant 0 : i32
      %add3A_200 = arith.addi %add3A_198, %add3A_199 : i32
      %mul3A_201 = arith.constant 50 : i32
      %mul3A_202 = arith.muli %add3A, %mul3A_201 : i32
      %add3A_203 = arith.addi %mul3A_202, %add3A_200 : i32
      %jit3A = arith.constant 32 : i32
      %div3A = arith.divsi %add3A_203, %jit3A : i32
      %sign3A = arith.constant 0 : i32
      %sign3A_204 = arith.cmpi sgt, %add3A_203, %sign3A : i32
      %sign3A_205 = arith.extui %sign3A_204 : i1 to i32
      %sign3A_206 = arith.constant 0 : i32
      %sign3A_207 = arith.cmpi slt, %add3A_203, %sign3A_206 : i32
      %sign3A_208 = arith.extui %sign3A_207 : i1 to i32
      %sign3A_209 = arith.subi %sign3A_205, %sign3A_208 : i32
      %sign3A_210 = arith.constant 0 : i32
      %sign3A_211 = arith.cmpi sgt, %jit3A, %sign3A_210 : i32
      %sign3A_212 = arith.extui %sign3A_211 : i1 to i32
      %sign3A_213 = arith.constant 0 : i32
      %sign3A_214 = arith.cmpi slt, %jit3A, %sign3A_213 : i32
      %sign3A_215 = arith.extui %sign3A_214 : i1 to i32
      %sign3A_216 = arith.subi %sign3A_212, %sign3A_215 : i32
      %ne3A = arith.cmpi ne, %sign3A_209, %sign3A_216 : i32
      %rem3A = arith.remsi %add3A_203, %jit3A : i32
      %ne3A_217 = arith.constant 0 : i32
      %ne3A_218 = arith.cmpi ne, %rem3A, %ne3A_217 : i32
      %and3A = arith.andi %ne3A, %ne3A_218 : i1
      %sub3A = arith.constant 1 : i32
      %sub3A_219 = arith.subi %div3A, %sub3A : i32
      %select_n3A = arith.select %and3A, %sub3A_219, %div3A : i32
      %jit3A_220 = arith.constant 32 : i32
      %eq3A = arith.constant 0 : i32
      %eq3A_221 = arith.cmpi eq, %jit3A_220, %eq3A : i32
      %jit3A_222 = arith.constant 1 : i32
      %select_n3A_223 = arith.select %eq3A_221, %jit3A_222, %jit3A_220 : i32
      %rem3A_224 = arith.remsi %add3A_203, %select_n3A_223 : i32
      %ne3A_225 = arith.constant 0 : i32
      %ne3A_226 = arith.cmpi ne, %rem3A_224, %ne3A_225 : i32
      %lt3A = arith.constant 0 : i32
      %lt3A_227 = arith.cmpi slt, %rem3A_224, %lt3A : i32
      %lt3A_228 = arith.constant 0 : i32
      %lt3A_229 = arith.cmpi slt, %select_n3A_223, %lt3A_228 : i32
      %ne3A_230 = arith.xori %lt3A_227, %lt3A_229 : i1
      %and3A_231 = arith.andi %ne3A_230, %ne3A_226 : i1
      %add3A_232 = arith.addi %rem3A_224, %select_n3A_223 : i32
      %select_n3A_233 = arith.select %and3A_231, %add3A_232, %rem3A_224 : i32
      %dma_wait3A_234 = arith.constant 0 : i32
      %dma_wait3A_235 = tpu.memref_slice %arg5[%dma_wait3A_234] : memref<25600xi32, #tpu.memory_space<vmem>> -> memref<512xi32, #tpu.memory_space<vmem>>
      %dma_wait3A_236 = arith.constant 0 : i32
      %dma_wait3A_237 = arith.constant 0 : i32
      %dma_wait3A_238 = tpu.memref_slice %arg2[%dma_wait3A_236, %dma_wait3A_237] : memref<1000000x64xf32, #tpu.memory_space<hbm>> -> memref<1000000x64xf32, #tpu.memory_space<hbm>>
      tpu.wait_indirect_dma semaphore(%arg9 : memref<!tpu.dma_semaphore, #tpu.memory_space<semaphore_mem>>) src(%dma_wait3A_238 : memref<1000000x64xf32, #tpu.memory_space<hbm>>) dst(%arg6 : memref<512x64xf32, #tpu.memory_space<vmem>>)
      %add3A_239 = arith.constant 1 : i32
      %add3A_240 = arith.addi %add3A_200, %add3A_239 : i32
      %lt3A_241 = arith.constant 50 : i32
      %lt3A_242 = arith.cmpi slt, %add3A_240, %lt3A_241 : i32
      %convert_element_type3A = arith.extui %lt3A_242 : i1 to i32
      %cond3A = arith.constant 0 : i32
      %cond3A_243 = arith.cmpi ne, %convert_element_type3A, %cond3A : i32
      scf.if %cond3A_243 {
        %add3A_672 = arith.constant 1 : i32
        %add3A_673 = arith.addi %add3A_200, %add3A_672 : i32
        %mul3A_674 = arith.constant 512 : i32
        %mul3A_675 = arith.muli %add3A_673, %mul3A_674 : i32
        %dma_start3A_676 = tpu.memref_slice %arg5[%mul3A_675] : memref<25600xi32, #tpu.memory_space<vmem>> -> memref<512xi32, #tpu.memory_space<vmem>>
        %dma_start3A_677 = arith.constant 0 : i32
        %dma_start3A_678 = arith.constant 0 : i32
        %dma_start3A_679 = tpu.memref_slice %arg2[%dma_start3A_677, %dma_start3A_678] : memref<1000000x64xf32, #tpu.memory_space<hbm>> -> memref<1000000x64xf32, #tpu.memory_space<hbm>>
        tpu.enqueue_indirect_dma source(%dma_start3A_679 : memref<1000000x64xf32, #tpu.memory_space<hbm>>) target(%arg7 : memref<512x64xf32, #tpu.memory_space<vmem>>) offsets(%dma_start3A_676 : memref<512xi32, #tpu.memory_space<vmem>>) semaphore(%arg10 : memref<!tpu.dma_semaphore, #tpu.memory_space<semaphore_mem>>)
      } else {
      }
      %gt3A = arith.constant 0 : i32
      %gt3A_244 = arith.cmpi sgt, %add3A_200, %gt3A : i32
      %convert_element_type3A_245 = arith.extui %gt3A_244 : i1 to i32
      %cond3A_246 = arith.constant 0 : i32
      %cond3A_247 = arith.cmpi ne, %convert_element_type3A_245, %cond3A_246 : i32
      scf.if %cond3A_247 {
        %dma_wait3A_672 = arith.constant 0 : i32
        %dma_wait3A_673 = arith.constant 0 : i32
        %dma_wait3A_674 = arith.constant 0 : i32
        %dma_wait3A_675 = arith.constant 0 : i32
        %dma_wait3A_676 = arith.constant 0 : i32
        %dma_wait3A_677 = arith.constant 0 : i32
        %dma_wait3A_678 = tpu.memref_slice %arg8[%dma_wait3A_672, %dma_wait3A_675, %dma_wait3A_676, %dma_wait3A_677] : memref<8x4x8x128xf32, #tpu.memory_space<vmem>> -> memref<1x4x8x128xf32, #tpu.memory_space<vmem>>
        %dma_wait3A_679 = tpu.memref_squeeze %dma_wait3A_678 : memref<1x4x8x128xf32, #tpu.memory_space<vmem>> -> memref<4x8x128xf32, #tpu.memory_space<vmem>>
        %dma_wait3A_680 = arith.constant 0 : i32
        %dma_wait3A_681 = arith.constant 0 : i32
        %dma_wait3A_682 = arith.constant 0 : i32
        %dma_wait3A_683 = tpu.memref_slice %arg4[%dma_wait3A_673, %dma_wait3A_674, %dma_wait3A_680, %dma_wait3A_681, %dma_wait3A_682] : memref<50x8x128x8x128xf32, #tpu.memory_space<hbm>> -> memref<1x1x4x8x128xf32, #tpu.memory_space<hbm>>
        %dma_wait3A_684 = tpu.memref_squeeze %dma_wait3A_683 : memref<1x1x4x8x128xf32, #tpu.memory_space<hbm>> -> memref<4x8x128xf32, #tpu.memory_space<hbm>>
        %dma_wait3A_685 = arith.constant 0 : i32
        %dma_wait3A_686 = arith.constant 0 : i32
        %dma_wait3A_687 = arith.constant 0 : i32
        %dma_wait3A_688 = tpu.memref_slice %arg4[%dma_wait3A_673, %dma_wait3A_674, %dma_wait3A_685, %dma_wait3A_686, %dma_wait3A_687] : memref<50x8x128x8x128xf32, #tpu.memory_space<hbm>> -> memref<1x1x4x8x128xf32, #tpu.memory_space<hbm>>
        %dma_wait3A_689 = tpu.memref_squeeze %dma_wait3A_688 : memref<1x1x4x8x128xf32, #tpu.memory_space<hbm>> -> memref<4x8x128xf32, #tpu.memory_space<hbm>>
        %dma_wait3A_690 = arith.constant 0 : i32
        %dma_wait3A_691 = arith.constant 0 : i32
        %dma_wait3A_692 = arith.constant 0 : i32
        %dma_wait3A_693 = tpu.memref_slice %arg8[%dma_wait3A_672, %dma_wait3A_690, %dma_wait3A_691, %dma_wait3A_692] : memref<8x4x8x128xf32, #tpu.memory_space<vmem>> -> memref<1x4x8x128xf32, #tpu.memory_space<vmem>>
        %dma_wait3A_694 = tpu.memref_squeeze %dma_wait3A_693 : memref<1x4x8x128xf32, #tpu.memory_space<vmem>> -> memref<4x8x128xf32, #tpu.memory_space<vmem>>
        tpu.wait_dma2 semaphore(%arg11 : memref<!tpu.dma_semaphore, #tpu.memory_space<semaphore_mem>>) src(%dma_wait3A_694 : memref<4x8x128xf32, #tpu.memory_space<vmem>>) dst(%dma_wait3A_689 : memref<4x8x128xf32, #tpu.memory_space<hbm>>)
        %dma_wait3A_695 = arith.constant 0 : i32
        %dma_wait3A_696 = arith.constant 0 : i32
        %dma_wait3A_697 = arith.constant 0 : i32
        %dma_wait3A_698 = arith.constant 0 : i32
        %dma_wait3A_699 = arith.constant 0 : i32
        %dma_wait3A_700 = arith.constant 0 : i32
        %dma_wait3A_701 = tpu.memref_slice %arg8[%dma_wait3A_695, %dma_wait3A_698, %dma_wait3A_699, %dma_wait3A_700] : memref<8x4x8x128xf32, #tpu.memory_space<vmem>> -> memref<1x4x8x128xf32, #tpu.memory_space<vmem>>
        %dma_wait3A_702 = tpu.memref_squeeze %dma_wait3A_701 : memref<1x4x8x128xf32, #tpu.memory_space<vmem>> -> memref<4x8x128xf32, #tpu.memory_space<vmem>>
        %dma_wait3A_703 = arith.constant 0 : i32
        %dma_wait3A_704 = arith.constant 0 : i32
        %dma_wait3A_705 = arith.constant 0 : i32
        %dma_wait3A_706 = tpu.memref_slice %arg4[%dma_wait3A_696, %dma_wait3A_697, %dma_wait3A_703, %dma_wait3A_704, %dma_wait3A_705] : memref<50x8x128x8x128xf32, #tpu.memory_space<hbm>> -> memref<1x1x4x8x128xf32, #tpu.memory_space<hbm>>
        %dma_wait3A_707 = tpu.memref_squeeze %dma_wait3A_706 : memref<1x1x4x8x128xf32, #tpu.memory_space<hbm>> -> memref<4x8x128xf32, #tpu.memory_space<hbm>>
        %dma_wait3A_708 = arith.constant 0 : i32
        %dma_wait3A_709 = arith.constant 0 : i32
        %dma_wait3A_710 = arith.constant 0 : i32
        %dma_wait3A_711 = tpu.memref_slice %arg4[%dma_wait3A_696, %dma_wait3A_697, %dma_wait3A_708, %dma_wait3A_709, %dma_wait3A_710] : memref<50x8x128x8x128xf32, #tpu.memory_space<hbm>> -> memref<1x1x4x8x128xf32, #tpu.memory_space<hbm>>
        %dma_wait3A_712 = tpu.memref_squeeze %dma_wait3A_711 : memref<1x1x4x8x128xf32, #tpu.memory_space<hbm>> -> memref<4x8x128xf32, #tpu.memory_space<hbm>>
        %dma_wait3A_713 = arith.constant 0 : i32
        %dma_wait3A_714 = arith.constant 0 : i32
        %dma_wait3A_715 = arith.constant 0 : i32
        %dma_wait3A_716 = tpu.memref_slice %arg8[%dma_wait3A_695, %dma_wait3A_713, %dma_wait3A_714, %dma_wait3A_715] : memref<8x4x8x128xf32, #tpu.memory_space<vmem>> -> memref<1x4x8x128xf32, #tpu.memory_space<vmem>>
        %dma_wait3A_717 = tpu.memref_squeeze %dma_wait3A_716 : memref<1x4x8x128xf32, #tpu.memory_space<vmem>> -> memref<4x8x128xf32, #tpu.memory_space<vmem>>
        tpu.wait_dma2 semaphore(%arg11 : memref<!tpu.dma_semaphore, #tpu.memory_space<semaphore_mem>>) src(%dma_wait3A_717 : memref<4x8x128xf32, #tpu.memory_space<vmem>>) dst(%dma_wait3A_712 : memref<4x8x128xf32, #tpu.memory_space<hbm>>)
        %dma_wait3A_718 = arith.constant 0 : i32
        %dma_wait3A_719 = arith.constant 0 : i32
        %dma_wait3A_720 = arith.constant 0 : i32
        %dma_wait3A_721 = arith.constant 0 : i32
        %dma_wait3A_722 = arith.constant 0 : i32
        %dma_wait3A_723 = arith.constant 0 : i32
        %dma_wait3A_724 = tpu.memref_slice %arg8[%dma_wait3A_718, %dma_wait3A_721, %dma_wait3A_722, %dma_wait3A_723] : memref<8x4x8x128xf32, #tpu.memory_space<vmem>> -> memref<1x4x8x128xf32, #tpu.memory_space<vmem>>
        %dma_wait3A_725 = tpu.memref_squeeze %dma_wait3A_724 : memref<1x4x8x128xf32, #tpu.memory_space<vmem>> -> memref<4x8x128xf32, #tpu.memory_space<vmem>>
        %dma_wait3A_726 = arith.constant 0 : i32
        %dma_wait3A_727 = arith.constant 0 : i32
        %dma_wait3A_728 = arith.constant 0 : i32
        %dma_wait3A_729 = tpu.memref_slice %arg4[%dma_wait3A_719, %dma_wait3A_720, %dma_wait3A_726, %dma_wait3A_727, %dma_wait3A_728] : memref<50x8x128x8x128xf32, #tpu.memory_space<hbm>> -> memref<1x1x4x8x128xf32, #tpu.memory_space<hbm>>
        %dma_wait3A_730 = tpu.memref_squeeze %dma_wait3A_729 : memref<1x1x4x8x128xf32, #tpu.memory_space<hbm>> -> memref<4x8x128xf32, #tpu.memory_space<hbm>>
        %dma_wait3A_731 = arith.constant 0 : i32
        %dma_wait3A_732 = arith.constant 0 : i32
        %dma_wait3A_733 = arith.constant 0 : i32
        %dma_wait3A_734 = tpu.memref_slice %arg4[%dma_wait3A_719, %dma_wait3A_720, %dma_wait3A_731, %dma_wait3A_732, %dma_wait3A_733] : memref<50x8x128x8x128xf32, #tpu.memory_space<hbm>> -> memref<1x1x4x8x128xf32, #tpu.memory_space<hbm>>
        %dma_wait3A_735 = tpu.memref_squeeze %dma_wait3A_734 : memref<1x1x4x8x128xf32, #tpu.memory_space<hbm>> -> memref<4x8x128xf32, #tpu.memory_space<hbm>>
        %dma_wait3A_736 = arith.constant 0 : i32
        %dma_wait3A_737 = arith.constant 0 : i32
        %dma_wait3A_738 = arith.constant 0 : i32
        %dma_wait3A_739 = tpu.memref_slice %arg8[%dma_wait3A_718, %dma_wait3A_736, %dma_wait3A_737, %dma_wait3A_738] : memref<8x4x8x128xf32, #tpu.memory_space<vmem>> -> memref<1x4x8x128xf32, #tpu.memory_space<vmem>>
        %dma_wait3A_740 = tpu.memref_squeeze %dma_wait3A_739 : memref<1x4x8x128xf32, #tpu.memory_space<vmem>> -> memref<4x8x128xf32, #tpu.memory_space<vmem>>
        tpu.wait_dma2 semaphore(%arg11 : memref<!tpu.dma_semaphore, #tpu.memory_space<semaphore_mem>>) src(%dma_wait3A_740 : memref<4x8x128xf32, #tpu.memory_space<vmem>>) dst(%dma_wait3A_735 : memref<4x8x128xf32, #tpu.memory_space<hbm>>)
        %dma_wait3A_741 = arith.constant 0 : i32
        %dma_wait3A_742 = arith.constant 0 : i32
        %dma_wait3A_743 = arith.constant 0 : i32
        %dma_wait3A_744 = arith.constant 0 : i32
        %dma_wait3A_745 = arith.constant 0 : i32
        %dma_wait3A_746 = arith.constant 0 : i32
        %dma_wait3A_747 = tpu.memref_slice %arg8[%dma_wait3A_741, %dma_wait3A_744, %dma_wait3A_745, %dma_wait3A_746] : memref<8x4x8x128xf32, #tpu.memory_space<vmem>> -> memref<1x4x8x128xf32, #tpu.memory_space<vmem>>
        %dma_wait3A_748 = tpu.memref_squeeze %dma_wait3A_747 : memref<1x4x8x128xf32, #tpu.memory_space<vmem>> -> memref<4x8x128xf32, #tpu.memory_space<vmem>>
        %dma_wait3A_749 = arith.constant 0 : i32
        %dma_wait3A_750 = arith.constant 0 : i32
        %dma_wait3A_751 = arith.constant 0 : i32
        %dma_wait3A_752 = tpu.memref_slice %arg4[%dma_wait3A_742, %dma_wait3A_743, %dma_wait3A_749, %dma_wait3A_750, %dma_wait3A_751] : memref<50x8x128x8x128xf32, #tpu.memory_space<hbm>> -> memref<1x1x4x8x128xf32, #tpu.memory_space<hbm>>
        %dma_wait3A_753 = tpu.memref_squeeze %dma_wait3A_752 : memref<1x1x4x8x128xf32, #tpu.memory_space<hbm>> -> memref<4x8x128xf32, #tpu.memory_space<hbm>>
        %dma_wait3A_754 = arith.constant 0 : i32
        %dma_wait3A_755 = arith.constant 0 : i32
        %dma_wait3A_756 = arith.constant 0 : i32
        %dma_wait3A_757 = tpu.memref_slice %arg4[%dma_wait3A_742, %dma_wait3A_743, %dma_wait3A_754, %dma_wait3A_755, %dma_wait3A_756] : memref<50x8x128x8x128xf32, #tpu.memory_space<hbm>> -> memref<1x1x4x8x128xf32, #tpu.memory_space<hbm>>
        %dma_wait3A_758 = tpu.memref_squeeze %dma_wait3A_757 : memref<1x1x4x8x128xf32, #tpu.memory_space<hbm>> -> memref<4x8x128xf32, #tpu.memory_space<hbm>>
        %dma_wait3A_759 = arith.constant 0 : i32
        %dma_wait3A_760 = arith.constant 0 : i32
        %dma_wait3A_761 = arith.constant 0 : i32
        %dma_wait3A_762 = tpu.memref_slice %arg8[%dma_wait3A_741, %dma_wait3A_759, %dma_wait3A_760, %dma_wait3A_761] : memref<8x4x8x128xf32, #tpu.memory_space<vmem>> -> memref<1x4x8x128xf32, #tpu.memory_space<vmem>>
        %dma_wait3A_763 = tpu.memref_squeeze %dma_wait3A_762 : memref<1x4x8x128xf32, #tpu.memory_space<vmem>> -> memref<4x8x128xf32, #tpu.memory_space<vmem>>
        tpu.wait_dma2 semaphore(%arg11 : memref<!tpu.dma_semaphore, #tpu.memory_space<semaphore_mem>>) src(%dma_wait3A_763 : memref<4x8x128xf32, #tpu.memory_space<vmem>>) dst(%dma_wait3A_758 : memref<4x8x128xf32, #tpu.memory_space<hbm>>)
        %dma_wait3A_764 = arith.constant 0 : i32
        %dma_wait3A_765 = arith.constant 0 : i32
        %dma_wait3A_766 = arith.constant 0 : i32
        %dma_wait3A_767 = arith.constant 0 : i32
        %dma_wait3A_768 = arith.constant 0 : i32
        %dma_wait3A_769 = arith.constant 0 : i32
        %dma_wait3A_770 = tpu.memref_slice %arg8[%dma_wait3A_764, %dma_wait3A_767, %dma_wait3A_768, %dma_wait3A_769] : memref<8x4x8x128xf32, #tpu.memory_space<vmem>> -> memref<1x4x8x128xf32, #tpu.memory_space<vmem>>
        %dma_wait3A_771 = tpu.memref_squeeze %dma_wait3A_770 : memref<1x4x8x128xf32, #tpu.memory_space<vmem>> -> memref<4x8x128xf32, #tpu.memory_space<vmem>>
        %dma_wait3A_772 = arith.constant 0 : i32
        %dma_wait3A_773 = arith.constant 0 : i32
        %dma_wait3A_774 = arith.constant 0 : i32
        %dma_wait3A_775 = tpu.memref_slice %arg4[%dma_wait3A_765, %dma_wait3A_766, %dma_wait3A_772, %dma_wait3A_773, %dma_wait3A_774] : memref<50x8x128x8x128xf32, #tpu.memory_space<hbm>> -> memref<1x1x4x8x128xf32, #tpu.memory_space<hbm>>
        %dma_wait3A_776 = tpu.memref_squeeze %dma_wait3A_775 : memref<1x1x4x8x128xf32, #tpu.memory_space<hbm>> -> memref<4x8x128xf32, #tpu.memory_space<hbm>>
        %dma_wait3A_777 = arith.constant 0 : i32
        %dma_wait3A_778 = arith.constant 0 : i32
        %dma_wait3A_779 = arith.constant 0 : i32
        %dma_wait3A_780 = tpu.memref_slice %arg4[%dma_wait3A_765, %dma_wait3A_766, %dma_wait3A_777, %dma_wait3A_778, %dma_wait3A_779] : memref<50x8x128x8x128xf32, #tpu.memory_space<hbm>> -> memref<1x1x4x8x128xf32, #tpu.memory_space<hbm>>
        %dma_wait3A_781 = tpu.memref_squeeze %dma_wait3A_780 : memref<1x1x4x8x128xf32, #tpu.memory_space<hbm>> -> memref<4x8x128xf32, #tpu.memory_space<hbm>>
        %dma_wait3A_782 = arith.constant 0 : i32
        %dma_wait3A_783 = arith.constant 0 : i32
        %dma_wait3A_784 = arith.constant 0 : i32
        %dma_wait3A_785 = tpu.memref_slice %arg8[%dma_wait3A_764, %dma_wait3A_782, %dma_wait3A_783, %dma_wait3A_784] : memref<8x4x8x128xf32, #tpu.memory_space<vmem>> -> memref<1x4x8x128xf32, #tpu.memory_space<vmem>>
        %dma_wait3A_786 = tpu.memref_squeeze %dma_wait3A_785 : memref<1x4x8x128xf32, #tpu.memory_space<vmem>> -> memref<4x8x128xf32, #tpu.memory_space<vmem>>
        tpu.wait_dma2 semaphore(%arg11 : memref<!tpu.dma_semaphore, #tpu.memory_space<semaphore_mem>>) src(%dma_wait3A_786 : memref<4x8x128xf32, #tpu.memory_space<vmem>>) dst(%dma_wait3A_781 : memref<4x8x128xf32, #tpu.memory_space<hbm>>)
        %dma_wait3A_787 = arith.constant 0 : i32
        %dma_wait3A_788 = arith.constant 0 : i32
        %dma_wait3A_789 = arith.constant 0 : i32
        %dma_wait3A_790 = arith.constant 0 : i32
        %dma_wait3A_791 = arith.constant 0 : i32
        %dma_wait3A_792 = arith.constant 0 : i32
        %dma_wait3A_793 = tpu.memref_slice %arg8[%dma_wait3A_787, %dma_wait3A_790, %dma_wait3A_791, %dma_wait3A_792] : memref<8x4x8x128xf32, #tpu.memory_space<vmem>> -> memref<1x4x8x128xf32, #tpu.memory_space<vmem>>
        %dma_wait3A_794 = tpu.memref_squeeze %dma_wait3A_793 : memref<1x4x8x128xf32, #tpu.memory_space<vmem>> -> memref<4x8x128xf32, #tpu.memory_space<vmem>>
        %dma_wait3A_795 = arith.constant 0 : i32
        %dma_wait3A_796 = arith.constant 0 : i32
        %dma_wait3A_797 = arith.constant 0 : i32
        %dma_wait3A_798 = tpu.memref_slice %arg4[%dma_wait3A_788, %dma_wait3A_789, %dma_wait3A_795, %dma_wait3A_796, %dma_wait3A_797] : memref<50x8x128x8x128xf32, #tpu.memory_space<hbm>> -> memref<1x1x4x8x128xf32, #tpu.memory_space<hbm>>
        %dma_wait3A_799 = tpu.memref_squeeze %dma_wait3A_798 : memref<1x1x4x8x128xf32, #tpu.memory_space<hbm>> -> memref<4x8x128xf32, #tpu.memory_space<hbm>>
        %dma_wait3A_800 = arith.constant 0 : i32
        %dma_wait3A_801 = arith.constant 0 : i32
        %dma_wait3A_802 = arith.constant 0 : i32
        %dma_wait3A_803 = tpu.memref_slice %arg4[%dma_wait3A_788, %dma_wait3A_789, %dma_wait3A_800, %dma_wait3A_801, %dma_wait3A_802] : memref<50x8x128x8x128xf32, #tpu.memory_space<hbm>> -> memref<1x1x4x8x128xf32, #tpu.memory_space<hbm>>
        %dma_wait3A_804 = tpu.memref_squeeze %dma_wait3A_803 : memref<1x1x4x8x128xf32, #tpu.memory_space<hbm>> -> memref<4x8x128xf32, #tpu.memory_space<hbm>>
        %dma_wait3A_805 = arith.constant 0 : i32
        %dma_wait3A_806 = arith.constant 0 : i32
        %dma_wait3A_807 = arith.constant 0 : i32
        %dma_wait3A_808 = tpu.memref_slice %arg8[%dma_wait3A_787, %dma_wait3A_805, %dma_wait3A_806, %dma_wait3A_807] : memref<8x4x8x128xf32, #tpu.memory_space<vmem>> -> memref<1x4x8x128xf32, #tpu.memory_space<vmem>>
        %dma_wait3A_809 = tpu.memref_squeeze %dma_wait3A_808 : memref<1x4x8x128xf32, #tpu.memory_space<vmem>> -> memref<4x8x128xf32, #tpu.memory_space<vmem>>
        tpu.wait_dma2 semaphore(%arg11 : memref<!tpu.dma_semaphore, #tpu.memory_space<semaphore_mem>>) src(%dma_wait3A_809 : memref<4x8x128xf32, #tpu.memory_space<vmem>>) dst(%dma_wait3A_804 : memref<4x8x128xf32, #tpu.memory_space<hbm>>)
        %dma_wait3A_810 = arith.constant 0 : i32
        %dma_wait3A_811 = arith.constant 0 : i32
        %dma_wait3A_812 = arith.constant 0 : i32
        %dma_wait3A_813 = arith.constant 0 : i32
        %dma_wait3A_814 = arith.constant 0 : i32
        %dma_wait3A_815 = arith.constant 0 : i32
        %dma_wait3A_816 = tpu.memref_slice %arg8[%dma_wait3A_810, %dma_wait3A_813, %dma_wait3A_814, %dma_wait3A_815] : memref<8x4x8x128xf32, #tpu.memory_space<vmem>> -> memref<1x4x8x128xf32, #tpu.memory_space<vmem>>
        %dma_wait3A_817 = tpu.memref_squeeze %dma_wait3A_816 : memref<1x4x8x128xf32, #tpu.memory_space<vmem>> -> memref<4x8x128xf32, #tpu.memory_space<vmem>>
        %dma_wait3A_818 = arith.constant 0 : i32
        %dma_wait3A_819 = arith.constant 0 : i32
        %dma_wait3A_820 = arith.constant 0 : i32
        %dma_wait3A_821 = tpu.memref_slice %arg4[%dma_wait3A_811, %dma_wait3A_812, %dma_wait3A_818, %dma_wait3A_819, %dma_wait3A_820] : memref<50x8x128x8x128xf32, #tpu.memory_space<hbm>> -> memref<1x1x4x8x128xf32, #tpu.memory_space<hbm>>
        %dma_wait3A_822 = tpu.memref_squeeze %dma_wait3A_821 : memref<1x1x4x8x128xf32, #tpu.memory_space<hbm>> -> memref<4x8x128xf32, #tpu.memory_space<hbm>>
        %dma_wait3A_823 = arith.constant 0 : i32
        %dma_wait3A_824 = arith.constant 0 : i32
        %dma_wait3A_825 = arith.constant 0 : i32
        %dma_wait3A_826 = tpu.memref_slice %arg4[%dma_wait3A_811, %dma_wait3A_812, %dma_wait3A_823, %dma_wait3A_824, %dma_wait3A_825] : memref<50x8x128x8x128xf32, #tpu.memory_space<hbm>> -> memref<1x1x4x8x128xf32, #tpu.memory_space<hbm>>
        %dma_wait3A_827 = tpu.memref_squeeze %dma_wait3A_826 : memref<1x1x4x8x128xf32, #tpu.memory_space<hbm>> -> memref<4x8x128xf32, #tpu.memory_space<hbm>>
        %dma_wait3A_828 = arith.constant 0 : i32
        %dma_wait3A_829 = arith.constant 0 : i32
        %dma_wait3A_830 = arith.constant 0 : i32
        %dma_wait3A_831 = tpu.memref_slice %arg8[%dma_wait3A_810, %dma_wait3A_828, %dma_wait3A_829, %dma_wait3A_830] : memref<8x4x8x128xf32, #tpu.memory_space<vmem>> -> memref<1x4x8x128xf32, #tpu.memory_space<vmem>>
        %dma_wait3A_832 = tpu.memref_squeeze %dma_wait3A_831 : memref<1x4x8x128xf32, #tpu.memory_space<vmem>> -> memref<4x8x128xf32, #tpu.memory_space<vmem>>
        tpu.wait_dma2 semaphore(%arg11 : memref<!tpu.dma_semaphore, #tpu.memory_space<semaphore_mem>>) src(%dma_wait3A_832 : memref<4x8x128xf32, #tpu.memory_space<vmem>>) dst(%dma_wait3A_827 : memref<4x8x128xf32, #tpu.memory_space<hbm>>)
        %dma_wait3A_833 = arith.constant 0 : i32
        %dma_wait3A_834 = arith.constant 0 : i32
        %dma_wait3A_835 = arith.constant 0 : i32
        %dma_wait3A_836 = arith.constant 0 : i32
        %dma_wait3A_837 = arith.constant 0 : i32
        %dma_wait3A_838 = arith.constant 0 : i32
        %dma_wait3A_839 = tpu.memref_slice %arg8[%dma_wait3A_833, %dma_wait3A_836, %dma_wait3A_837, %dma_wait3A_838] : memref<8x4x8x128xf32, #tpu.memory_space<vmem>> -> memref<1x4x8x128xf32, #tpu.memory_space<vmem>>
        %dma_wait3A_840 = tpu.memref_squeeze %dma_wait3A_839 : memref<1x4x8x128xf32, #tpu.memory_space<vmem>> -> memref<4x8x128xf32, #tpu.memory_space<vmem>>
        %dma_wait3A_841 = arith.constant 0 : i32
        %dma_wait3A_842 = arith.constant 0 : i32
        %dma_wait3A_843 = arith.constant 0 : i32
        %dma_wait3A_844 = tpu.memref_slice %arg4[%dma_wait3A_834, %dma_wait3A_835, %dma_wait3A_841, %dma_wait3A_842, %dma_wait3A_843] : memref<50x8x128x8x128xf32, #tpu.memory_space<hbm>> -> memref<1x1x4x8x128xf32, #tpu.memory_space<hbm>>
        %dma_wait3A_845 = tpu.memref_squeeze %dma_wait3A_844 : memref<1x1x4x8x128xf32, #tpu.memory_space<hbm>> -> memref<4x8x128xf32, #tpu.memory_space<hbm>>
        %dma_wait3A_846 = arith.constant 0 : i32
        %dma_wait3A_847 = arith.constant 0 : i32
        %dma_wait3A_848 = arith.constant 0 : i32
        %dma_wait3A_849 = tpu.memref_slice %arg4[%dma_wait3A_834, %dma_wait3A_835, %dma_wait3A_846, %dma_wait3A_847, %dma_wait3A_848] : memref<50x8x128x8x128xf32, #tpu.memory_space<hbm>> -> memref<1x1x4x8x128xf32, #tpu.memory_space<hbm>>
        %dma_wait3A_850 = tpu.memref_squeeze %dma_wait3A_849 : memref<1x1x4x8x128xf32, #tpu.memory_space<hbm>> -> memref<4x8x128xf32, #tpu.memory_space<hbm>>
        %dma_wait3A_851 = arith.constant 0 : i32
        %dma_wait3A_852 = arith.constant 0 : i32
        %dma_wait3A_853 = arith.constant 0 : i32
        %dma_wait3A_854 = tpu.memref_slice %arg8[%dma_wait3A_833, %dma_wait3A_851, %dma_wait3A_852, %dma_wait3A_853] : memref<8x4x8x128xf32, #tpu.memory_space<vmem>> -> memref<1x4x8x128xf32, #tpu.memory_space<vmem>>
        %dma_wait3A_855 = tpu.memref_squeeze %dma_wait3A_854 : memref<1x4x8x128xf32, #tpu.memory_space<vmem>> -> memref<4x8x128xf32, #tpu.memory_space<vmem>>
        tpu.wait_dma2 semaphore(%arg11 : memref<!tpu.dma_semaphore, #tpu.memory_space<semaphore_mem>>) src(%dma_wait3A_855 : memref<4x8x128xf32, #tpu.memory_space<vmem>>) dst(%dma_wait3A_850 : memref<4x8x128xf32, #tpu.memory_space<hbm>>)
      } else {
      }
      %scan3A_248 = arith.constant 0 : i32
      %scan3A_249 = arith.constant 16 : i32
      %scan3A_250 = arith.addi %scan3A_248, %scan3A_249 : i32
      %scan3A_251 = arith.constant 1 : i32
      scf.for %scan3A_672 = %scan3A_248 to %scan3A_250 step %scan3A_251  : i32 {
        %mul3A_673 = arith.constant 1 : i32
        %mul3A_674 = arith.muli %scan3A_672, %mul3A_673 : i32
        %add3A_675 = arith.constant 0 : i32
        %add3A_676 = arith.addi %add3A_675, %mul3A_674 : i32
        %add3A_677 = vector.broadcast %add3A_676 : i32 to vector<16xi32>
        %add3A_678 = arith.addi %iota3A, %add3A_677 : vector<16xi32>
        %and3A_679 = arith.constant 15 : i32
        %and3A_680 = vector.broadcast %and3A_679 : i32 to vector<16xi32>
        %and3A_681 = arith.andi %add3A_678, %and3A_680 : vector<16xi32>
        %shift_right_arithmetic3A = arith.constant 3 : i32
        %shift_right_arithmetic3A_682 = vector.broadcast %shift_right_arithmetic3A : i32 to vector<16xi32>
        %shift_right_arithmetic3A_683 = arith.shrsi %and3A_681, %shift_right_arithmetic3A_682 : vector<16xi32>
        %and3A_684 = arith.constant 7 : i32
        %and3A_685 = vector.broadcast %and3A_684 : i32 to vector<16xi32>
        %and3A_686 = arith.andi %and3A_681, %and3A_685 : vector<16xi32>
        %scan3A_687 = arith.constant 0 : i32
        %scan3A_688 = arith.constant 32 : i32
        %scan3A_689 = arith.addi %scan3A_687, %scan3A_688 : i32
        %scan3A_690 = arith.constant 4 : i32
        scf.for %scan3A_692 = %scan3A_687 to %scan3A_689 step %scan3A_690  : i32 {
          %mul3A_693 = arith.constant 1 : i32
          %mul3A_694 = arith.muli %scan3A_692, %mul3A_693 : i32
          %add3A_695 = arith.constant 0 : i32
          %add3A_696 = arith.addi %add3A_695, %mul3A_694 : i32
          %mul3A_697 = arith.constant 16 : i32
          %mul3A_698 = arith.muli %add3A_696, %mul3A_697 : i32
          %add3A_699 = vector.broadcast %mul3A_698 : i32 to vector<16xi32>
          %add3A_700 = arith.addi %iota3A, %add3A_699 : vector<16xi32>
          %and3A_701 = arith.constant 7 : i32
          %and3A_702 = arith.andi %add3A_696, %and3A_701 : i32
          %mul3A_703 = arith.constant 16 : i32
          %mul3A_704 = arith.muli %and3A_702, %mul3A_703 : i32
          %add3A_705 = vector.broadcast %mul3A_704 : i32 to vector<16xi32>
          %add3A_706 = arith.addi %iota3A, %add3A_705 : vector<16xi32>
          %broadcast_in_dim3A = arith.constant 0 : i32
          %broadcast_in_dim3A_707 = vector.broadcast %broadcast_in_dim3A : i32 to vector<16xi32>
          %shift_right_arithmetic3A_708 = arith.constant 3 : i32
          %shift_right_arithmetic3A_709 = arith.shrsi %add3A_696, %shift_right_arithmetic3A_708 : i32
          %add3A_710 = vector.broadcast %shift_right_arithmetic3A_709 : i32 to vector<16xi32>
          %add3A_711 = arith.addi %broadcast_in_dim3A_707, %add3A_710 : vector<16xi32>
          %add3A_712 = arith.constant 0 : i32
          %add3A_713 = vector.broadcast %add3A_712 : i32 to vector<16xi32>
          %add3A_714 = arith.addi %and3A_681, %add3A_713 : vector<16xi32>
          %add3A_715 = arith.constant 0 : i32
          %add3A_716 = vector.broadcast %add3A_715 : i32 to vector<16xi32>
          %add3A_717 = arith.addi %shift_right_arithmetic3A_683, %add3A_716 : vector<16xi32>
          %gather3A = tpu.vector_load_idx %arg6[%add3A_700, %add3A_714] : memref<512x64xf32, #tpu.memory_space<vmem>>[vector<16xi32>, vector<16xi32>], vector<16xf32>,
          tpu.vector_store_idx %arg8[%add3A_717, %add3A_711, %and3A_686, %add3A_706], %gather3A : memref<8x4x8x128xf32, #tpu.memory_space<vmem>>[vector<16xi32>, vector<16xi32>, vector<16xi32>, vector<16xi32>], vector<16xf32>,
          %add3A_718 = arith.constant 16 : i32
          %add3A_719 = vector.broadcast %add3A_718 : i32 to vector<16xi32>
          %add3A_720 = arith.addi %and3A_681, %add3A_719 : vector<16xi32>
          %add3A_721 = arith.constant 2 : i32
          %add3A_722 = vector.broadcast %add3A_721 : i32 to vector<16xi32>
          %add3A_723 = arith.addi %shift_right_arithmetic3A_683, %add3A_722 : vector<16xi32>
          %gather3A_724 = tpu.vector_load_idx %arg6[%add3A_700, %add3A_720] : memref<512x64xf32, #tpu.memory_space<vmem>>[vector<16xi32>, vector<16xi32>], vector<16xf32>,
          tpu.vector_store_idx %arg8[%add3A_723, %add3A_711, %and3A_686, %add3A_706], %gather3A_724 : memref<8x4x8x128xf32, #tpu.memory_space<vmem>>[vector<16xi32>, vector<16xi32>, vector<16xi32>, vector<16xi32>], vector<16xf32>,
          %add3A_725 = arith.constant 32 : i32
          %add3A_726 = vector.broadcast %add3A_725 : i32 to vector<16xi32>
          %add3A_727 = arith.addi %and3A_681, %add3A_726 : vector<16xi32>
          %add3A_728 = arith.constant 4 : i32
          %add3A_729 = vector.broadcast %add3A_728 : i32 to vector<16xi32>
          %add3A_730 = arith.addi %shift_right_arithmetic3A_683, %add3A_729 : vector<16xi32>
          %gather3A_731 = tpu.vector_load_idx %arg6[%add3A_700, %add3A_727] : memref<512x64xf32, #tpu.memory_space<vmem>>[vector<16xi32>, vector<16xi32>], vector<16xf32>,
          tpu.vector_store_idx %arg8[%add3A_730, %add3A_711, %and3A_686, %add3A_706], %gather3A_731 : memref<8x4x8x128xf32, #tpu.memory_space<vmem>>[vector<16xi32>, vector<16xi32>, vector<16xi32>, vector<16xi32>], vector<16xf32>,
          %add3A_732 = arith.constant 48 : i32
          %add3A_733 = vector.broadcast %add3A_732 : i32 to vector<16xi32>
          %add3A_734 = arith.addi %and3A_681, %add3A_733 : vector<16xi32>
          %add3A_735 = arith.constant 6 : i32
          %add3A_736 = vector.broadcast %add3A_735 : i32 to vector<16xi32>
          %add3A_737 = arith.addi %shift_right_arithmetic3A_683, %add3A_736 : vector<16xi32>
          %gather3A_738 = tpu.vector_load_idx %arg6[%add3A_700, %add3A_734] : memref<512x64xf32, #tpu.memory_space<vmem>>[vector<16xi32>, vector<16xi32>], vector<16xf32>,
          tpu.vector_store_idx %arg8[%add3A_737, %add3A_711, %and3A_686, %add3A_706], %gather3A_738 : memref<8x4x8x128xf32, #tpu.memory_space<vmem>>[vector<16xi32>, vector<16xi32>, vector<16xi32>, vector<16xi32>], vector<16xf32>,
          %scan3A_739 = arith.constant 1 : i32
          %scan3A_740 = arith.addi %scan3A_692, %scan3A_739 : i32
          %mul3A_741 = arith.constant 1 : i32
          %mul3A_742 = arith.muli %scan3A_740, %mul3A_741 : i32
          %add3A_743 = arith.constant 0 : i32
          %add3A_744 = arith.addi %add3A_743, %mul3A_742 : i32
          %mul3A_745 = arith.constant 16 : i32
          %mul3A_746 = arith.muli %add3A_744, %mul3A_745 : i32
          %add3A_747 = vector.broadcast %mul3A_746 : i32 to vector<16xi32>
          %add3A_748 = arith.addi %iota3A, %add3A_747 : vector<16xi32>
          %and3A_749 = arith.constant 7 : i32
          %and3A_750 = arith.andi %add3A_744, %and3A_749 : i32
          %mul3A_751 = arith.constant 16 : i32
          %mul3A_752 = arith.muli %and3A_750, %mul3A_751 : i32
          %add3A_753 = vector.broadcast %mul3A_752 : i32 to vector<16xi32>
          %add3A_754 = arith.addi %iota3A, %add3A_753 : vector<16xi32>
          %broadcast_in_dim3A_755 = arith.constant 0 : i32
          %broadcast_in_dim3A_756 = vector.broadcast %broadcast_in_dim3A_755 : i32 to vector<16xi32>
          %shift_right_arithmetic3A_757 = arith.constant 3 : i32
          %shift_right_arithmetic3A_758 = arith.shrsi %add3A_744, %shift_right_arithmetic3A_757 : i32
          %add3A_759 = vector.broadcast %shift_right_arithmetic3A_758 : i32 to vector<16xi32>
          %add3A_760 = arith.addi %broadcast_in_dim3A_756, %add3A_759 : vector<16xi32>
          %add3A_761 = arith.constant 0 : i32
          %add3A_762 = vector.broadcast %add3A_761 : i32 to vector<16xi32>
          %add3A_763 = arith.addi %and3A_681, %add3A_762 : vector<16xi32>
          %add3A_764 = arith.constant 0 : i32
          %add3A_765 = vector.broadcast %add3A_764 : i32 to vector<16xi32>
          %add3A_766 = arith.addi %shift_right_arithmetic3A_683, %add3A_765 : vector<16xi32>
          %gather3A_767 = tpu.vector_load_idx %arg6[%add3A_748, %add3A_763] : memref<512x64xf32, #tpu.memory_space<vmem>>[vector<16xi32>, vector<16xi32>], vector<16xf32>,
          tpu.vector_store_idx %arg8[%add3A_766, %add3A_760, %and3A_686, %add3A_754], %gather3A_767 : memref<8x4x8x128xf32, #tpu.memory_space<vmem>>[vector<16xi32>, vector<16xi32>, vector<16xi32>, vector<16xi32>], vector<16xf32>,
          %add3A_768 = arith.constant 16 : i32
          %add3A_769 = vector.broadcast %add3A_768 : i32 to vector<16xi32>
          %add3A_770 = arith.addi %and3A_681, %add3A_769 : vector<16xi32>
          %add3A_771 = arith.constant 2 : i32
          %add3A_772 = vector.broadcast %add3A_771 : i32 to vector<16xi32>
          %add3A_773 = arith.addi %shift_right_arithmetic3A_683, %add3A_772 : vector<16xi32>
          %gather3A_774 = tpu.vector_load_idx %arg6[%add3A_748, %add3A_770] : memref<512x64xf32, #tpu.memory_space<vmem>>[vector<16xi32>, vector<16xi32>], vector<16xf32>,
          tpu.vector_store_idx %arg8[%add3A_773, %add3A_760, %and3A_686, %add3A_754], %gather3A_774 : memref<8x4x8x128xf32, #tpu.memory_space<vmem>>[vector<16xi32>, vector<16xi32>, vector<16xi32>, vector<16xi32>], vector<16xf32>,
          %add3A_775 = arith.constant 32 : i32
          %add3A_776 = vector.broadcast %add3A_775 : i32 to vector<16xi32>
          %add3A_777 = arith.addi %and3A_681, %add3A_776 : vector<16xi32>
          %add3A_778 = arith.constant 4 : i32
          %add3A_779 = vector.broadcast %add3A_778 : i32 to vector<16xi32>
          %add3A_780 = arith.addi %shift_right_arithmetic3A_683, %add3A_779 : vector<16xi32>
          %gather3A_781 = tpu.vector_load_idx %arg6[%add3A_748, %add3A_777] : memref<512x64xf32, #tpu.memory_space<vmem>>[vector<16xi32>, vector<16xi32>], vector<16xf32>,
          tpu.vector_store_idx %arg8[%add3A_780, %add3A_760, %and3A_686, %add3A_754], %gather3A_781 : memref<8x4x8x128xf32, #tpu.memory_space<vmem>>[vector<16xi32>, vector<16xi32>, vector<16xi32>, vector<16xi32>], vector<16xf32>,
          %add3A_782 = arith.constant 48 : i32
          %add3A_783 = vector.broadcast %add3A_782 : i32 to vector<16xi32>
          %add3A_784 = arith.addi %and3A_681, %add3A_783 : vector<16xi32>
          %add3A_785 = arith.constant 6 : i32
          %add3A_786 = vector.broadcast %add3A_785 : i32 to vector<16xi32>
          %add3A_787 = arith.addi %shift_right_arithmetic3A_683, %add3A_786 : vector<16xi32>
          %gather3A_788 = tpu.vector_load_idx %arg6[%add3A_748, %add3A_784] : memref<512x64xf32, #tpu.memory_space<vmem>>[vector<16xi32>, vector<16xi32>], vector<16xf32>,
          tpu.vector_store_idx %arg8[%add3A_787, %add3A_760, %and3A_686, %add3A_754], %gather3A_788 : memref<8x4x8x128xf32, #tpu.memory_space<vmem>>[vector<16xi32>, vector<16xi32>, vector<16xi32>, vector<16xi32>], vector<16xf32>,
          %scan3A_789 = arith.constant 2 : i32
          %scan3A_790 = arith.addi %scan3A_692, %scan3A_789 : i32
          %mul3A_791 = arith.constant 1 : i32
          %mul3A_792 = arith.muli %scan3A_790, %mul3A_791 : i32
          %add3A_793 = arith.constant 0 : i32
          %add3A_794 = arith.addi %add3A_793, %mul3A_792 : i32
          %mul3A_795 = arith.constant 16 : i32
          %mul3A_796 = arith.muli %add3A_794, %mul3A_795 : i32
          %add3A_797 = vector.broadcast %mul3A_796 : i32 to vector<16xi32>
          %add3A_798 = arith.addi %iota3A, %add3A_797 : vector<16xi32>
          %and3A_799 = arith.constant 7 : i32
          %and3A_800 = arith.andi %add3A_794, %and3A_799 : i32
          %mul3A_801 = arith.constant 16 : i32
          %mul3A_802 = arith.muli %and3A_800, %mul3A_801 : i32
          %add3A_803 = vector.broadcast %mul3A_802 : i32 to vector<16xi32>
          %add3A_804 = arith.addi %iota3A, %add3A_803 : vector<16xi32>
          %broadcast_in_dim3A_805 = arith.constant 0 : i32
          %broadcast_in_dim3A_806 = vector.broadcast %broadcast_in_dim3A_805 : i32 to vector<16xi32>
          %shift_right_arithmetic3A_807 = arith.constant 3 : i32
          %shift_right_arithmetic3A_808 = arith.shrsi %add3A_794, %shift_right_arithmetic3A_807 : i32
          %add3A_809 = vector.broadcast %shift_right_arithmetic3A_808 : i32 to vector<16xi32>
          %add3A_810 = arith.addi %broadcast_in_dim3A_806, %add3A_809 : vector<16xi32>
          %add3A_811 = arith.constant 0 : i32
          %add3A_812 = vector.broadcast %add3A_811 : i32 to vector<16xi32>
          %add3A_813 = arith.addi %and3A_681, %add3A_812 : vector<16xi32>
          %add3A_814 = arith.constant 0 : i32
          %add3A_815 = vector.broadcast %add3A_814 : i32 to vector<16xi32>
          %add3A_816 = arith.addi %shift_right_arithmetic3A_683, %add3A_815 : vector<16xi32>
          %gather3A_817 = tpu.vector_load_idx %arg6[%add3A_798, %add3A_813] : memref<512x64xf32, #tpu.memory_space<vmem>>[vector<16xi32>, vector<16xi32>], vector<16xf32>,
          tpu.vector_store_idx %arg8[%add3A_816, %add3A_810, %and3A_686, %add3A_804], %gather3A_817 : memref<8x4x8x128xf32, #tpu.memory_space<vmem>>[vector<16xi32>, vector<16xi32>, vector<16xi32>, vector<16xi32>], vector<16xf32>,
          %add3A_818 = arith.constant 16 : i32
          %add3A_819 = vector.broadcast %add3A_818 : i32 to vector<16xi32>
          %add3A_820 = arith.addi %and3A_681, %add3A_819 : vector<16xi32>
          %add3A_821 = arith.constant 2 : i32
          %add3A_822 = vector.broadcast %add3A_821 : i32 to vector<16xi32>
          %add3A_823 = arith.addi %shift_right_arithmetic3A_683, %add3A_822 : vector<16xi32>
          %gather3A_824 = tpu.vector_load_idx %arg6[%add3A_798, %add3A_820] : memref<512x64xf32, #tpu.memory_space<vmem>>[vector<16xi32>, vector<16xi32>], vector<16xf32>,
          tpu.vector_store_idx %arg8[%add3A_823, %add3A_810, %and3A_686, %add3A_804], %gather3A_824 : memref<8x4x8x128xf32, #tpu.memory_space<vmem>>[vector<16xi32>, vector<16xi32>, vector<16xi32>, vector<16xi32>], vector<16xf32>,
          %add3A_825 = arith.constant 32 : i32
          %add3A_826 = vector.broadcast %add3A_825 : i32 to vector<16xi32>
          %add3A_827 = arith.addi %and3A_681, %add3A_826 : vector<16xi32>
          %add3A_828 = arith.constant 4 : i32
          %add3A_829 = vector.broadcast %add3A_828 : i32 to vector<16xi32>
          %add3A_830 = arith.addi %shift_right_arithmetic3A_683, %add3A_829 : vector<16xi32>
          %gather3A_831 = tpu.vector_load_idx %arg6[%add3A_798, %add3A_827] : memref<512x64xf32, #tpu.memory_space<vmem>>[vector<16xi32>, vector<16xi32>], vector<16xf32>,
          tpu.vector_store_idx %arg8[%add3A_830, %add3A_810, %and3A_686, %add3A_804], %gather3A_831 : memref<8x4x8x128xf32, #tpu.memory_space<vmem>>[vector<16xi32>, vector<16xi32>, vector<16xi32>, vector<16xi32>], vector<16xf32>,
          %add3A_832 = arith.constant 48 : i32
          %add3A_833 = vector.broadcast %add3A_832 : i32 to vector<16xi32>
          %add3A_834 = arith.addi %and3A_681, %add3A_833 : vector<16xi32>
          %add3A_835 = arith.constant 6 : i32
          %add3A_836 = vector.broadcast %add3A_835 : i32 to vector<16xi32>
          %add3A_837 = arith.addi %shift_right_arithmetic3A_683, %add3A_836 : vector<16xi32>
          %gather3A_838 = tpu.vector_load_idx %arg6[%add3A_798, %add3A_834] : memref<512x64xf32, #tpu.memory_space<vmem>>[vector<16xi32>, vector<16xi32>], vector<16xf32>,
          tpu.vector_store_idx %arg8[%add3A_837, %add3A_810, %and3A_686, %add3A_804], %gather3A_838 : memref<8x4x8x128xf32, #tpu.memory_space<vmem>>[vector<16xi32>, vector<16xi32>, vector<16xi32>, vector<16xi32>], vector<16xf32>,
          %scan3A_839 = arith.constant 3 : i32
          %scan3A_840 = arith.addi %scan3A_692, %scan3A_839 : i32
          %mul3A_841 = arith.constant 1 : i32
          %mul3A_842 = arith.muli %scan3A_840, %mul3A_841 : i32
          %add3A_843 = arith.constant 0 : i32
          %add3A_844 = arith.addi %add3A_843, %mul3A_842 : i32
          %mul3A_845 = arith.constant 16 : i32
          %mul3A_846 = arith.muli %add3A_844, %mul3A_845 : i32
          %add3A_847 = vector.broadcast %mul3A_846 : i32 to vector<16xi32>
          %add3A_848 = arith.addi %iota3A, %add3A_847 : vector<16xi32>
          %and3A_849 = arith.constant 7 : i32
          %and3A_850 = arith.andi %add3A_844, %and3A_849 : i32
          %mul3A_851 = arith.constant 16 : i32
          %mul3A_852 = arith.muli %and3A_850, %mul3A_851 : i32
          %add3A_853 = vector.broadcast %mul3A_852 : i32 to vector<16xi32>
          %add3A_854 = arith.addi %iota3A, %add3A_853 : vector<16xi32>
          %broadcast_in_dim3A_855 = arith.constant 0 : i32
          %broadcast_in_dim3A_856 = vector.broadcast %broadcast_in_dim3A_855 : i32 to vector<16xi32>
          %shift_right_arithmetic3A_857 = arith.constant 3 : i32
          %shift_right_arithmetic3A_858 = arith.shrsi %add3A_844, %shift_right_arithmetic3A_857 : i32
          %add3A_859 = vector.broadcast %shift_right_arithmetic3A_858 : i32 to vector<16xi32>
          %add3A_860 = arith.addi %broadcast_in_dim3A_856, %add3A_859 : vector<16xi32>
          %add3A_861 = arith.constant 0 : i32
          %add3A_862 = vector.broadcast %add3A_861 : i32 to vector<16xi32>
          %add3A_863 = arith.addi %and3A_681, %add3A_862 : vector<16xi32>
          %add3A_864 = arith.constant 0 : i32
          %add3A_865 = vector.broadcast %add3A_864 : i32 to vector<16xi32>
          %add3A_866 = arith.addi %shift_right_arithmetic3A_683, %add3A_865 : vector<16xi32>
          %gather3A_867 = tpu.vector_load_idx %arg6[%add3A_848, %add3A_863] : memref<512x64xf32, #tpu.memory_space<vmem>>[vector<16xi32>, vector<16xi32>], vector<16xf32>,
          tpu.vector_store_idx %arg8[%add3A_866, %add3A_860, %and3A_686, %add3A_854], %gather3A_867 : memref<8x4x8x128xf32, #tpu.memory_space<vmem>>[vector<16xi32>, vector<16xi32>, vector<16xi32>, vector<16xi32>], vector<16xf32>,
          %add3A_868 = arith.constant 16 : i32
          %add3A_869 = vector.broadcast %add3A_868 : i32 to vector<16xi32>
          %add3A_870 = arith.addi %and3A_681, %add3A_869 : vector<16xi32>
          %add3A_871 = arith.constant 2 : i32
          %add3A_872 = vector.broadcast %add3A_871 : i32 to vector<16xi32>
          %add3A_873 = arith.addi %shift_right_arithmetic3A_683, %add3A_872 : vector<16xi32>
          %gather3A_874 = tpu.vector_load_idx %arg6[%add3A_848, %add3A_870] : memref<512x64xf32, #tpu.memory_space<vmem>>[vector<16xi32>, vector<16xi32>], vector<16xf32>,
          tpu.vector_store_idx %arg8[%add3A_873, %add3A_860, %and3A_686, %add3A_854], %gather3A_874 : memref<8x4x8x128xf32, #tpu.memory_space<vmem>>[vector<16xi32>, vector<16xi32>, vector<16xi32>, vector<16xi32>], vector<16xf32>,
          %add3A_875 = arith.constant 32 : i32
          %add3A_876 = vector.broadcast %add3A_875 : i32 to vector<16xi32>
          %add3A_877 = arith.addi %and3A_681, %add3A_876 : vector<16xi32>
          %add3A_878 = arith.constant 4 : i32
          %add3A_879 = vector.broadcast %add3A_878 : i32 to vector<16xi32>
          %add3A_880 = arith.addi %shift_right_arithmetic3A_683, %add3A_879 : vector<16xi32>
          %gather3A_881 = tpu.vector_load_idx %arg6[%add3A_848, %add3A_877] : memref<512x64xf32, #tpu.memory_space<vmem>>[vector<16xi32>, vector<16xi32>], vector<16xf32>,
          tpu.vector_store_idx %arg8[%add3A_880, %add3A_860, %and3A_686, %add3A_854], %gather3A_881 : memref<8x4x8x128xf32, #tpu.memory_space<vmem>>[vector<16xi32>, vector<16xi32>, vector<16xi32>, vector<16xi32>], vector<16xf32>,
          %add3A_882 = arith.constant 48 : i32
          %add3A_883 = vector.broadcast %add3A_882 : i32 to vector<16xi32>
          %add3A_884 = arith.addi %and3A_681, %add3A_883 : vector<16xi32>
          %add3A_885 = arith.constant 6 : i32
          %add3A_886 = vector.broadcast %add3A_885 : i32 to vector<16xi32>
          %add3A_887 = arith.addi %shift_right_arithmetic3A_683, %add3A_886 : vector<16xi32>
          %gather3A_888 = tpu.vector_load_idx %arg6[%add3A_848, %add3A_884] : memref<512x64xf32, #tpu.memory_space<vmem>>[vector<16xi32>, vector<16xi32>], vector<16xf32>,
          tpu.vector_store_idx %arg8[%add3A_887, %add3A_860, %and3A_686, %add3A_854], %gather3A_888 : memref<8x4x8x128xf32, #tpu.memory_space<vmem>>[vector<16xi32>, vector<16xi32>, vector<16xi32>, vector<16xi32>], vector<16xf32>,
        }
        %scan3A_691 = arith.constant 32 : i32
      }
      %scan3A_252 = arith.constant 16 : i32
      %mul3A_253 = arith.constant 4 : i32
      %mul3A_254 = arith.muli %select_n3A_233, %mul3A_253 : i32
      %dma_start3A_255 = arith.constant 0 : i32
      %dma_start3A_256 = arith.constant 0 : i32
      %dma_start3A_257 = arith.constant 0 : i32
      %dma_start3A_258 = arith.constant 0 : i32
      %dma_start3A_259 = arith.constant 0 : i32
      %dma_start3A_260 = tpu.memref_slice %arg8[%dma_start3A_255, %dma_start3A_257, %dma_start3A_258, %dma_start3A_259] : memref<8x4x8x128xf32, #tpu.memory_space<vmem>> -> memref<1x4x8x128xf32, #tpu.memory_space<vmem>>
      %dma_start3A_261 = tpu.memref_squeeze %dma_start3A_260 : memref<1x4x8x128xf32, #tpu.memory_space<vmem>> -> memref<4x8x128xf32, #tpu.memory_space<vmem>>
      %dma_start3A_262 = arith.constant 0 : i32
      %dma_start3A_263 = arith.constant 0 : i32
      %dma_start3A_264 = tpu.memref_slice %arg4[%select_n3A, %dma_start3A_256, %mul3A_254, %dma_start3A_262, %dma_start3A_263] : memref<50x8x128x8x128xf32, #tpu.memory_space<hbm>> -> memref<1x1x4x8x128xf32, #tpu.memory_space<hbm>>
      %dma_start3A_265 = tpu.memref_squeeze %dma_start3A_264 : memref<1x1x4x8x128xf32, #tpu.memory_space<hbm>> -> memref<4x8x128xf32, #tpu.memory_space<hbm>>
      %dma_start3A_266 = arith.constant 0 : i32
      %dma_start3A_267 = arith.constant 0 : i32
      %dma_start3A_268 = tpu.memref_slice %arg4[%select_n3A, %dma_start3A_256, %mul3A_254, %dma_start3A_266, %dma_start3A_267] : memref<50x8x128x8x128xf32, #tpu.memory_space<hbm>> -> memref<1x1x4x8x128xf32, #tpu.memory_space<hbm>>
      %dma_start3A_269 = tpu.memref_squeeze %dma_start3A_268 : memref<1x1x4x8x128xf32, #tpu.memory_space<hbm>> -> memref<4x8x128xf32, #tpu.memory_space<hbm>>
      %dma_start3A_270 = arith.constant 0 : i32
      %dma_start3A_271 = arith.constant 0 : i32
      %dma_start3A_272 = arith.constant 0 : i32
      %dma_start3A_273 = tpu.memref_slice %arg8[%dma_start3A_255, %dma_start3A_270, %dma_start3A_271, %dma_start3A_272] : memref<8x4x8x128xf32, #tpu.memory_space<vmem>> -> memref<1x4x8x128xf32, #tpu.memory_space<vmem>>
      %dma_start3A_274 = tpu.memref_squeeze %dma_start3A_273 : memref<1x4x8x128xf32, #tpu.memory_space<vmem>> -> memref<4x8x128xf32, #tpu.memory_space<vmem>>
      tpu.enqueue_dma source(%dma_start3A_274 : memref<4x8x128xf32, #tpu.memory_space<vmem>>) target(%dma_start3A_269 : memref<4x8x128xf32, #tpu.memory_space<hbm>>) target_semaphore(%arg11 : memref<!tpu.dma_semaphore, #tpu.memory_space<semaphore_mem>>)
      %mul3A_275 = arith.constant 4 : i32
      %mul3A_276 = arith.muli %select_n3A_233, %mul3A_275 : i32
      %dma_start3A_277 = arith.constant 1 : i32
      %dma_start3A_278 = arith.constant 1 : i32
      %dma_start3A_279 = arith.constant 0 : i32
      %dma_start3A_280 = arith.constant 0 : i32
      %dma_start3A_281 = arith.constant 0 : i32
      %dma_start3A_282 = tpu.memref_slice %arg8[%dma_start3A_277, %dma_start3A_279, %dma_start3A_280, %dma_start3A_281] : memref<8x4x8x128xf32, #tpu.memory_space<vmem>> -> memref<1x4x8x128xf32, #tpu.memory_space<vmem>>
      %dma_start3A_283 = tpu.memref_squeeze %dma_start3A_282 : memref<1x4x8x128xf32, #tpu.memory_space<vmem>> -> memref<4x8x128xf32, #tpu.memory_space<vmem>>
      %dma_start3A_284 = arith.constant 0 : i32
      %dma_start3A_285 = arith.constant 0 : i32
      %dma_start3A_286 = tpu.memref_slice %arg4[%select_n3A, %dma_start3A_278, %mul3A_276, %dma_start3A_284, %dma_start3A_285] : memref<50x8x128x8x128xf32, #tpu.memory_space<hbm>> -> memref<1x1x4x8x128xf32, #tpu.memory_space<hbm>>
      %dma_start3A_287 = tpu.memref_squeeze %dma_start3A_286 : memref<1x1x4x8x128xf32, #tpu.memory_space<hbm>> -> memref<4x8x128xf32, #tpu.memory_space<hbm>>
      %dma_start3A_288 = arith.constant 0 : i32
      %dma_start3A_289 = arith.constant 0 : i32
      %dma_start3A_290 = tpu.memref_slice %arg4[%select_n3A, %dma_start3A_278, %mul3A_276, %dma_start3A_288, %dma_start3A_289] : memref<50x8x128x8x128xf32, #tpu.memory_space<hbm>> -> memref<1x1x4x8x128xf32, #tpu.memory_space<hbm>>
      %dma_start3A_291 = tpu.memref_squeeze %dma_start3A_290 : memref<1x1x4x8x128xf32, #tpu.memory_space<hbm>> -> memref<4x8x128xf32, #tpu.memory_space<hbm>>
      %dma_start3A_292 = arith.constant 0 : i32
      %dma_start3A_293 = arith.constant 0 : i32
      %dma_start3A_294 = arith.constant 0 : i32
      %dma_start3A_295 = tpu.memref_slice %arg8[%dma_start3A_277, %dma_start3A_292, %dma_start3A_293, %dma_start3A_294] : memref<8x4x8x128xf32, #tpu.memory_space<vmem>> -> memref<1x4x8x128xf32, #tpu.memory_space<vmem>>
      %dma_start3A_296 = tpu.memref_squeeze %dma_start3A_295 : memref<1x4x8x128xf32, #tpu.memory_space<vmem>> -> memref<4x8x128xf32, #tpu.memory_space<vmem>>
      tpu.enqueue_dma source(%dma_start3A_296 : memref<4x8x128xf32, #tpu.memory_space<vmem>>) target(%dma_start3A_291 : memref<4x8x128xf32, #tpu.memory_space<hbm>>) target_semaphore(%arg11 : memref<!tpu.dma_semaphore, #tpu.memory_space<semaphore_mem>>)
      %mul3A_297 = arith.constant 4 : i32
      %mul3A_298 = arith.muli %select_n3A_233, %mul3A_297 : i32
      %dma_start3A_299 = arith.constant 2 : i32
      %dma_start3A_300 = arith.constant 2 : i32
      %dma_start3A_301 = arith.constant 0 : i32
      %dma_start3A_302 = arith.constant 0 : i32
      %dma_start3A_303 = arith.constant 0 : i32
      %dma_start3A_304 = tpu.memref_slice %arg8[%dma_start3A_299, %dma_start3A_301, %dma_start3A_302, %dma_start3A_303] : memref<8x4x8x128xf32, #tpu.memory_space<vmem>> -> memref<1x4x8x128xf32, #tpu.memory_space<vmem>>
      %dma_start3A_305 = tpu.memref_squeeze %dma_start3A_304 : memref<1x4x8x128xf32, #tpu.memory_space<vmem>> -> memref<4x8x128xf32, #tpu.memory_space<vmem>>
      %dma_start3A_306 = arith.constant 0 : i32
      %dma_start3A_307 = arith.constant 0 : i32
      %dma_start3A_308 = tpu.memref_slice %arg4[%select_n3A, %dma_start3A_300, %mul3A_298, %dma_start3A_306, %dma_start3A_307] : memref<50x8x128x8x128xf32, #tpu.memory_space<hbm>> -> memref<1x1x4x8x128xf32, #tpu.memory_space<hbm>>
      %dma_start3A_309 = tpu.memref_squeeze %dma_start3A_308 : memref<1x1x4x8x128xf32, #tpu.memory_space<hbm>> -> memref<4x8x128xf32, #tpu.memory_space<hbm>>
      %dma_start3A_310 = arith.constant 0 : i32
      %dma_start3A_311 = arith.constant 0 : i32
      %dma_start3A_312 = tpu.memref_slice %arg4[%select_n3A, %dma_start3A_300, %mul3A_298, %dma_start3A_310, %dma_start3A_311] : memref<50x8x128x8x128xf32, #tpu.memory_space<hbm>> -> memref<1x1x4x8x128xf32, #tpu.memory_space<hbm>>
      %dma_start3A_313 = tpu.memref_squeeze %dma_start3A_312 : memref<1x1x4x8x128xf32, #tpu.memory_space<hbm>> -> memref<4x8x128xf32, #tpu.memory_space<hbm>>
      %dma_start3A_314 = arith.constant 0 : i32
      %dma_start3A_315 = arith.constant 0 : i32
      %dma_start3A_316 = arith.constant 0 : i32
      %dma_start3A_317 = tpu.memref_slice %arg8[%dma_start3A_299, %dma_start3A_314, %dma_start3A_315, %dma_start3A_316] : memref<8x4x8x128xf32, #tpu.memory_space<vmem>> -> memref<1x4x8x128xf32, #tpu.memory_space<vmem>>
      %dma_start3A_318 = tpu.memref_squeeze %dma_start3A_317 : memref<1x4x8x128xf32, #tpu.memory_space<vmem>> -> memref<4x8x128xf32, #tpu.memory_space<vmem>>
      tpu.enqueue_dma source(%dma_start3A_318 : memref<4x8x128xf32, #tpu.memory_space<vmem>>) target(%dma_start3A_313 : memref<4x8x128xf32, #tpu.memory_space<hbm>>) target_semaphore(%arg11 : memref<!tpu.dma_semaphore, #tpu.memory_space<semaphore_mem>>)
      %mul3A_319 = arith.constant 4 : i32
      %mul3A_320 = arith.muli %select_n3A_233, %mul3A_319 : i32
      %dma_start3A_321 = arith.constant 3 : i32
      %dma_start3A_322 = arith.constant 3 : i32
      %dma_start3A_323 = arith.constant 0 : i32
      %dma_start3A_324 = arith.constant 0 : i32
      %dma_start3A_325 = arith.constant 0 : i32
      %dma_start3A_326 = tpu.memref_slice %arg8[%dma_start3A_321, %dma_start3A_323, %dma_start3A_324, %dma_start3A_325] : memref<8x4x8x128xf32, #tpu.memory_space<vmem>> -> memref<1x4x8x128xf32, #tpu.memory_space<vmem>>
      %dma_start3A_327 = tpu.memref_squeeze %dma_start3A_326 : memref<1x4x8x128xf32, #tpu.memory_space<vmem>> -> memref<4x8x128xf32, #tpu.memory_space<vmem>>
      %dma_start3A_328 = arith.constant 0 : i32
      %dma_start3A_329 = arith.constant 0 : i32
      %dma_start3A_330 = tpu.memref_slice %arg4[%select_n3A, %dma_start3A_322, %mul3A_320, %dma_start3A_328, %dma_start3A_329] : memref<50x8x128x8x128xf32, #tpu.memory_space<hbm>> -> memref<1x1x4x8x128xf32, #tpu.memory_space<hbm>>
      %dma_start3A_331 = tpu.memref_squeeze %dma_start3A_330 : memref<1x1x4x8x128xf32, #tpu.memory_space<hbm>> -> memref<4x8x128xf32, #tpu.memory_space<hbm>>
      %dma_start3A_332 = arith.constant 0 : i32
      %dma_start3A_333 = arith.constant 0 : i32
      %dma_start3A_334 = tpu.memref_slice %arg4[%select_n3A, %dma_start3A_322, %mul3A_320, %dma_start3A_332, %dma_start3A_333] : memref<50x8x128x8x128xf32, #tpu.memory_space<hbm>> -> memref<1x1x4x8x128xf32, #tpu.memory_space<hbm>>
      %dma_start3A_335 = tpu.memref_squeeze %dma_start3A_334 : memref<1x1x4x8x128xf32, #tpu.memory_space<hbm>> -> memref<4x8x128xf32, #tpu.memory_space<hbm>>
      %dma_start3A_336 = arith.constant 0 : i32
      %dma_start3A_337 = arith.constant 0 : i32
      %dma_start3A_338 = arith.constant 0 : i32
      %dma_start3A_339 = tpu.memref_slice %arg8[%dma_start3A_321, %dma_start3A_336, %dma_start3A_337, %dma_start3A_338] : memref<8x4x8x128xf32, #tpu.memory_space<vmem>> -> memref<1x4x8x128xf32, #tpu.memory_space<vmem>>
      %dma_start3A_340 = tpu.memref_squeeze %dma_start3A_339 : memref<1x4x8x128xf32, #tpu.memory_space<vmem>> -> memref<4x8x128xf32, #tpu.memory_space<vmem>>
      tpu.enqueue_dma source(%dma_start3A_340 : memref<4x8x128xf32, #tpu.memory_space<vmem>>) target(%dma_start3A_335 : memref<4x8x128xf32, #tpu.memory_space<hbm>>) target_semaphore(%arg11 : memref<!tpu.dma_semaphore, #tpu.memory_space<semaphore_mem>>)
      %mul3A_341 = arith.constant 4 : i32
      %mul3A_342 = arith.muli %select_n3A_233, %mul3A_341 : i32
      %dma_start3A_343 = arith.constant 4 : i32
      %dma_start3A_344 = arith.constant 4 : i32
      %dma_start3A_345 = arith.constant 0 : i32
      %dma_start3A_346 = arith.constant 0 : i32
      %dma_start3A_347 = arith.constant 0 : i32
      %dma_start3A_348 = tpu.memref_slice %arg8[%dma_start3A_343, %dma_start3A_345, %dma_start3A_346, %dma_start3A_347] : memref<8x4x8x128xf32, #tpu.memory_space<vmem>> -> memref<1x4x8x128xf32, #tpu.memory_space<vmem>>
      %dma_start3A_349 = tpu.memref_squeeze %dma_start3A_348 : memref<1x4x8x128xf32, #tpu.memory_space<vmem>> -> memref<4x8x128xf32, #tpu.memory_space<vmem>>
      %dma_start3A_350 = arith.constant 0 : i32
      %dma_start3A_351 = arith.constant 0 : i32
      %dma_start3A_352 = tpu.memref_slice %arg4[%select_n3A, %dma_start3A_344, %mul3A_342, %dma_start3A_350, %dma_start3A_351] : memref<50x8x128x8x128xf32, #tpu.memory_space<hbm>> -> memref<1x1x4x8x128xf32, #tpu.memory_space<hbm>>
      %dma_start3A_353 = tpu.memref_squeeze %dma_start3A_352 : memref<1x1x4x8x128xf32, #tpu.memory_space<hbm>> -> memref<4x8x128xf32, #tpu.memory_space<hbm>>
      %dma_start3A_354 = arith.constant 0 : i32
      %dma_start3A_355 = arith.constant 0 : i32
      %dma_start3A_356 = tpu.memref_slice %arg4[%select_n3A, %dma_start3A_344, %mul3A_342, %dma_start3A_354, %dma_start3A_355] : memref<50x8x128x8x128xf32, #tpu.memory_space<hbm>> -> memref<1x1x4x8x128xf32, #tpu.memory_space<hbm>>
      %dma_start3A_357 = tpu.memref_squeeze %dma_start3A_356 : memref<1x1x4x8x128xf32, #tpu.memory_space<hbm>> -> memref<4x8x128xf32, #tpu.memory_space<hbm>>
      %dma_start3A_358 = arith.constant 0 : i32
      %dma_start3A_359 = arith.constant 0 : i32
      %dma_start3A_360 = arith.constant 0 : i32
      %dma_start3A_361 = tpu.memref_slice %arg8[%dma_start3A_343, %dma_start3A_358, %dma_start3A_359, %dma_start3A_360] : memref<8x4x8x128xf32, #tpu.memory_space<vmem>> -> memref<1x4x8x128xf32, #tpu.memory_space<vmem>>
      %dma_start3A_362 = tpu.memref_squeeze %dma_start3A_361 : memref<1x4x8x128xf32, #tpu.memory_space<vmem>> -> memref<4x8x128xf32, #tpu.memory_space<vmem>>
      tpu.enqueue_dma source(%dma_start3A_362 : memref<4x8x128xf32, #tpu.memory_space<vmem>>) target(%dma_start3A_357 : memref<4x8x128xf32, #tpu.memory_space<hbm>>) target_semaphore(%arg11 : memref<!tpu.dma_semaphore, #tpu.memory_space<semaphore_mem>>)
      %mul3A_363 = arith.constant 4 : i32
      %mul3A_364 = arith.muli %select_n3A_233, %mul3A_363 : i32
      %dma_start3A_365 = arith.constant 5 : i32
      %dma_start3A_366 = arith.constant 5 : i32
      %dma_start3A_367 = arith.constant 0 : i32
      %dma_start3A_368 = arith.constant 0 : i32
      %dma_start3A_369 = arith.constant 0 : i32
      %dma_start3A_370 = tpu.memref_slice %arg8[%dma_start3A_365, %dma_start3A_367, %dma_start3A_368, %dma_start3A_369] : memref<8x4x8x128xf32, #tpu.memory_space<vmem>> -> memref<1x4x8x128xf32, #tpu.memory_space<vmem>>
      %dma_start3A_371 = tpu.memref_squeeze %dma_start3A_370 : memref<1x4x8x128xf32, #tpu.memory_space<vmem>> -> memref<4x8x128xf32, #tpu.memory_space<vmem>>
      %dma_start3A_372 = arith.constant 0 : i32
      %dma_start3A_373 = arith.constant 0 : i32
      %dma_start3A_374 = tpu.memref_slice %arg4[%select_n3A, %dma_start3A_366, %mul3A_364, %dma_start3A_372, %dma_start3A_373] : memref<50x8x128x8x128xf32, #tpu.memory_space<hbm>> -> memref<1x1x4x8x128xf32, #tpu.memory_space<hbm>>
      %dma_start3A_375 = tpu.memref_squeeze %dma_start3A_374 : memref<1x1x4x8x128xf32, #tpu.memory_space<hbm>> -> memref<4x8x128xf32, #tpu.memory_space<hbm>>
      %dma_start3A_376 = arith.constant 0 : i32
      %dma_start3A_377 = arith.constant 0 : i32
      %dma_start3A_378 = tpu.memref_slice %arg4[%select_n3A, %dma_start3A_366, %mul3A_364, %dma_start3A_376, %dma_start3A_377] : memref<50x8x128x8x128xf32, #tpu.memory_space<hbm>> -> memref<1x1x4x8x128xf32, #tpu.memory_space<hbm>>
      %dma_start3A_379 = tpu.memref_squeeze %dma_start3A_378 : memref<1x1x4x8x128xf32, #tpu.memory_space<hbm>> -> memref<4x8x128xf32, #tpu.memory_space<hbm>>
      %dma_start3A_380 = arith.constant 0 : i32
      %dma_start3A_381 = arith.constant 0 : i32
      %dma_start3A_382 = arith.constant 0 : i32
      %dma_start3A_383 = tpu.memref_slice %arg8[%dma_start3A_365, %dma_start3A_380, %dma_start3A_381, %dma_start3A_382] : memref<8x4x8x128xf32, #tpu.memory_space<vmem>> -> memref<1x4x8x128xf32, #tpu.memory_space<vmem>>
      %dma_start3A_384 = tpu.memref_squeeze %dma_start3A_383 : memref<1x4x8x128xf32, #tpu.memory_space<vmem>> -> memref<4x8x128xf32, #tpu.memory_space<vmem>>
      tpu.enqueue_dma source(%dma_start3A_384 : memref<4x8x128xf32, #tpu.memory_space<vmem>>) target(%dma_start3A_379 : memref<4x8x128xf32, #tpu.memory_space<hbm>>) target_semaphore(%arg11 : memref<!tpu.dma_semaphore, #tpu.memory_space<semaphore_mem>>)
      %mul3A_385 = arith.constant 4 : i32
      %mul3A_386 = arith.muli %select_n3A_233, %mul3A_385 : i32
      %dma_start3A_387 = arith.constant 6 : i32
      %dma_start3A_388 = arith.constant 6 : i32
      %dma_start3A_389 = arith.constant 0 : i32
      %dma_start3A_390 = arith.constant 0 : i32
      %dma_start3A_391 = arith.constant 0 : i32
      %dma_start3A_392 = tpu.memref_slice %arg8[%dma_start3A_387, %dma_start3A_389, %dma_start3A_390, %dma_start3A_391] : memref<8x4x8x128xf32, #tpu.memory_space<vmem>> -> memref<1x4x8x128xf32, #tpu.memory_space<vmem>>
      %dma_start3A_393 = tpu.memref_squeeze %dma_start3A_392 : memref<1x4x8x128xf32, #tpu.memory_space<vmem>> -> memref<4x8x128xf32, #tpu.memory_space<vmem>>
      %dma_start3A_394 = arith.constant 0 : i32
      %dma_start3A_395 = arith.constant 0 : i32
      %dma_start3A_396 = tpu.memref_slice %arg4[%select_n3A, %dma_start3A_388, %mul3A_386, %dma_start3A_394, %dma_start3A_395] : memref<50x8x128x8x128xf32, #tpu.memory_space<hbm>> -> memref<1x1x4x8x128xf32, #tpu.memory_space<hbm>>
      %dma_start3A_397 = tpu.memref_squeeze %dma_start3A_396 : memref<1x1x4x8x128xf32, #tpu.memory_space<hbm>> -> memref<4x8x128xf32, #tpu.memory_space<hbm>>
      %dma_start3A_398 = arith.constant 0 : i32
      %dma_start3A_399 = arith.constant 0 : i32
      %dma_start3A_400 = tpu.memref_slice %arg4[%select_n3A, %dma_start3A_388, %mul3A_386, %dma_start3A_398, %dma_start3A_399] : memref<50x8x128x8x128xf32, #tpu.memory_space<hbm>> -> memref<1x1x4x8x128xf32, #tpu.memory_space<hbm>>
      %dma_start3A_401 = tpu.memref_squeeze %dma_start3A_400 : memref<1x1x4x8x128xf32, #tpu.memory_space<hbm>> -> memref<4x8x128xf32, #tpu.memory_space<hbm>>
      %dma_start3A_402 = arith.constant 0 : i32
      %dma_start3A_403 = arith.constant 0 : i32
      %dma_start3A_404 = arith.constant 0 : i32
      %dma_start3A_405 = tpu.memref_slice %arg8[%dma_start3A_387, %dma_start3A_402, %dma_start3A_403, %dma_start3A_404] : memref<8x4x8x128xf32, #tpu.memory_space<vmem>> -> memref<1x4x8x128xf32, #tpu.memory_space<vmem>>
      %dma_start3A_406 = tpu.memref_squeeze %dma_start3A_405 : memref<1x4x8x128xf32, #tpu.memory_space<vmem>> -> memref<4x8x128xf32, #tpu.memory_space<vmem>>
      tpu.enqueue_dma source(%dma_start3A_406 : memref<4x8x128xf32, #tpu.memory_space<vmem>>) target(%dma_start3A_401 : memref<4x8x128xf32, #tpu.memory_space<hbm>>) target_semaphore(%arg11 : memref<!tpu.dma_semaphore, #tpu.memory_space<semaphore_mem>>)
      %mul3A_407 = arith.constant 4 : i32
      %mul3A_408 = arith.muli %select_n3A_233, %mul3A_407 : i32
      %dma_start3A_409 = arith.constant 7 : i32
      %dma_start3A_410 = arith.constant 7 : i32
      %dma_start3A_411 = arith.constant 0 : i32
      %dma_start3A_412 = arith.constant 0 : i32
      %dma_start3A_413 = arith.constant 0 : i32
      %dma_start3A_414 = tpu.memref_slice %arg8[%dma_start3A_409, %dma_start3A_411, %dma_start3A_412, %dma_start3A_413] : memref<8x4x8x128xf32, #tpu.memory_space<vmem>> -> memref<1x4x8x128xf32, #tpu.memory_space<vmem>>
      %dma_start3A_415 = tpu.memref_squeeze %dma_start3A_414 : memref<1x4x8x128xf32, #tpu.memory_space<vmem>> -> memref<4x8x128xf32, #tpu.memory_space<vmem>>
      %dma_start3A_416 = arith.constant 0 : i32
      %dma_start3A_417 = arith.constant 0 : i32
      %dma_start3A_418 = tpu.memref_slice %arg4[%select_n3A, %dma_start3A_410, %mul3A_408, %dma_start3A_416, %dma_start3A_417] : memref<50x8x128x8x128xf32, #tpu.memory_space<hbm>> -> memref<1x1x4x8x128xf32, #tpu.memory_space<hbm>>
      %dma_start3A_419 = tpu.memref_squeeze %dma_start3A_418 : memref<1x1x4x8x128xf32, #tpu.memory_space<hbm>> -> memref<4x8x128xf32, #tpu.memory_space<hbm>>
      %dma_start3A_420 = arith.constant 0 : i32
      %dma_start3A_421 = arith.constant 0 : i32
      %dma_start3A_422 = tpu.memref_slice %arg4[%select_n3A, %dma_start3A_410, %mul3A_408, %dma_start3A_420, %dma_start3A_421] : memref<50x8x128x8x128xf32, #tpu.memory_space<hbm>> -> memref<1x1x4x8x128xf32, #tpu.memory_space<hbm>>
      %dma_start3A_423 = tpu.memref_squeeze %dma_start3A_422 : memref<1x1x4x8x128xf32, #tpu.memory_space<hbm>> -> memref<4x8x128xf32, #tpu.memory_space<hbm>>
      %dma_start3A_424 = arith.constant 0 : i32
      %dma_start3A_425 = arith.constant 0 : i32
      %dma_start3A_426 = arith.constant 0 : i32
      %dma_start3A_427 = tpu.memref_slice %arg8[%dma_start3A_409, %dma_start3A_424, %dma_start3A_425, %dma_start3A_426] : memref<8x4x8x128xf32, #tpu.memory_space<vmem>> -> memref<1x4x8x128xf32, #tpu.memory_space<vmem>>
      %dma_start3A_428 = tpu.memref_squeeze %dma_start3A_427 : memref<1x4x8x128xf32, #tpu.memory_space<vmem>> -> memref<4x8x128xf32, #tpu.memory_space<vmem>>
      tpu.enqueue_dma source(%dma_start3A_428 : memref<4x8x128xf32, #tpu.memory_space<vmem>>) target(%dma_start3A_423 : memref<4x8x128xf32, #tpu.memory_space<hbm>>) target_semaphore(%arg11 : memref<!tpu.dma_semaphore, #tpu.memory_space<semaphore_mem>>)
      %add3A_429 = arith.constant 1 : i32
      %add3A_430 = arith.addi %add3A_198, %add3A_429 : i32
      %mul3A_431 = arith.constant 50 : i32
      %mul3A_432 = arith.muli %add3A, %mul3A_431 : i32
      %add3A_433 = arith.addi %mul3A_432, %add3A_430 : i32
      %jit3A_434 = arith.constant 32 : i32
      %div3A_435 = arith.divsi %add3A_433, %jit3A_434 : i32
      %sign3A_436 = arith.constant 0 : i32
      %sign3A_437 = arith.cmpi sgt, %add3A_433, %sign3A_436 : i32
      %sign3A_438 = arith.extui %sign3A_437 : i1 to i32
      %sign3A_439 = arith.constant 0 : i32
      %sign3A_440 = arith.cmpi slt, %add3A_433, %sign3A_439 : i32
      %sign3A_441 = arith.extui %sign3A_440 : i1 to i32
      %sign3A_442 = arith.subi %sign3A_438, %sign3A_441 : i32
      %sign3A_443 = arith.constant 0 : i32
      %sign3A_444 = arith.cmpi sgt, %jit3A_434, %sign3A_443 : i32
      %sign3A_445 = arith.extui %sign3A_444 : i1 to i32
      %sign3A_446 = arith.constant 0 : i32
      %sign3A_447 = arith.cmpi slt, %jit3A_434, %sign3A_446 : i32
      %sign3A_448 = arith.extui %sign3A_447 : i1 to i32
      %sign3A_449 = arith.subi %sign3A_445, %sign3A_448 : i32
      %ne3A_450 = arith.cmpi ne, %sign3A_442, %sign3A_449 : i32
      %rem3A_451 = arith.remsi %add3A_433, %jit3A_434 : i32
      %ne3A_452 = arith.constant 0 : i32
      %ne3A_453 = arith.cmpi ne, %rem3A_451, %ne3A_452 : i32
      %and3A_454 = arith.andi %ne3A_450, %ne3A_453 : i1
      %sub3A_455 = arith.constant 1 : i32
      %sub3A_456 = arith.subi %div3A_435, %sub3A_455 : i32
      %select_n3A_457 = arith.select %and3A_454, %sub3A_456, %div3A_435 : i32
      %jit3A_458 = arith.constant 32 : i32
      %eq3A_459 = arith.constant 0 : i32
      %eq3A_460 = arith.cmpi eq, %jit3A_458, %eq3A_459 : i32
      %jit3A_461 = arith.constant 1 : i32
      %select_n3A_462 = arith.select %eq3A_460, %jit3A_461, %jit3A_458 : i32
      %rem3A_463 = arith.remsi %add3A_433, %select_n3A_462 : i32
      %ne3A_464 = arith.constant 0 : i32
      %ne3A_465 = arith.cmpi ne, %rem3A_463, %ne3A_464 : i32
      %lt3A_466 = arith.constant 0 : i32
      %lt3A_467 = arith.cmpi slt, %rem3A_463, %lt3A_466 : i32
      %lt3A_468 = arith.constant 0 : i32
      %lt3A_469 = arith.cmpi slt, %select_n3A_462, %lt3A_468 : i32
      %ne3A_470 = arith.xori %lt3A_467, %lt3A_469 : i1
      %and3A_471 = arith.andi %ne3A_470, %ne3A_465 : i1
      %add3A_472 = arith.addi %rem3A_463, %select_n3A_462 : i32
      %select_n3A_473 = arith.select %and3A_471, %add3A_472, %rem3A_463 : i32
      %dma_wait3A_474 = arith.constant 0 : i32
      %dma_wait3A_475 = tpu.memref_slice %arg5[%dma_wait3A_474] : memref<25600xi32, #tpu.memory_space<vmem>> -> memref<512xi32, #tpu.memory_space<vmem>>
      %dma_wait3A_476 = arith.constant 0 : i32
      %dma_wait3A_477 = arith.constant 0 : i32
      %dma_wait3A_478 = tpu.memref_slice %arg2[%dma_wait3A_476, %dma_wait3A_477] : memref<1000000x64xf32, #tpu.memory_space<hbm>> -> memref<1000000x64xf32, #tpu.memory_space<hbm>>
      tpu.wait_indirect_dma semaphore(%arg10 : memref<!tpu.dma_semaphore, #tpu.memory_space<semaphore_mem>>) src(%dma_wait3A_478 : memref<1000000x64xf32, #tpu.memory_space<hbm>>) dst(%arg7 : memref<512x64xf32, #tpu.memory_space<vmem>>)
      %add3A_479 = arith.constant 1 : i32
      %add3A_480 = arith.addi %add3A_430, %add3A_479 : i32
      %lt3A_481 = arith.constant 50 : i32
      %lt3A_482 = arith.cmpi slt, %add3A_480, %lt3A_481 : i32
      %convert_element_type3A_483 = arith.extui %lt3A_482 : i1 to i32
      %cond3A_484 = arith.constant 0 : i32
      %cond3A_485 = arith.cmpi ne, %convert_element_type3A_483, %cond3A_484 : i32
      scf.if %cond3A_485 {
        %add3A_672 = arith.constant 1 : i32
        %add3A_673 = arith.addi %add3A_430, %add3A_672 : i32
        %mul3A_674 = arith.constant 512 : i32
        %mul3A_675 = arith.muli %add3A_673, %mul3A_674 : i32
        %dma_start3A_676 = tpu.memref_slice %arg5[%mul3A_675] : memref<25600xi32, #tpu.memory_space<vmem>> -> memref<512xi32, #tpu.memory_space<vmem>>
        %dma_start3A_677 = arith.constant 0 : i32
        %dma_start3A_678 = arith.constant 0 : i32
        %dma_start3A_679 = tpu.memref_slice %arg2[%dma_start3A_677, %dma_start3A_678] : memref<1000000x64xf32, #tpu.memory_space<hbm>> -> memref<1000000x64xf32, #tpu.memory_space<hbm>>
        tpu.enqueue_indirect_dma source(%dma_start3A_679 : memref<1000000x64xf32, #tpu.memory_space<hbm>>) target(%arg6 : memref<512x64xf32, #tpu.memory_space<vmem>>) offsets(%dma_start3A_676 : memref<512xi32, #tpu.memory_space<vmem>>) semaphore(%arg9 : memref<!tpu.dma_semaphore, #tpu.memory_space<semaphore_mem>>)
      } else {
      }
      %gt3A_486 = arith.constant 0 : i32
      %gt3A_487 = arith.cmpi sgt, %add3A_430, %gt3A_486 : i32
      %convert_element_type3A_488 = arith.extui %gt3A_487 : i1 to i32
      %cond3A_489 = arith.constant 0 : i32
      %cond3A_490 = arith.cmpi ne, %convert_element_type3A_488, %cond3A_489 : i32
      scf.if %cond3A_490 {
        %dma_wait3A_672 = arith.constant 0 : i32
        %dma_wait3A_673 = arith.constant 0 : i32
        %dma_wait3A_674 = arith.constant 0 : i32
        %dma_wait3A_675 = arith.constant 0 : i32
        %dma_wait3A_676 = arith.constant 0 : i32
        %dma_wait3A_677 = arith.constant 0 : i32
        %dma_wait3A_678 = tpu.memref_slice %arg8[%dma_wait3A_672, %dma_wait3A_675, %dma_wait3A_676, %dma_wait3A_677] : memref<8x4x8x128xf32, #tpu.memory_space<vmem>> -> memref<1x4x8x128xf32, #tpu.memory_space<vmem>>
        %dma_wait3A_679 = tpu.memref_squeeze %dma_wait3A_678 : memref<1x4x8x128xf32, #tpu.memory_space<vmem>> -> memref<4x8x128xf32, #tpu.memory_space<vmem>>
        %dma_wait3A_680 = arith.constant 0 : i32
        %dma_wait3A_681 = arith.constant 0 : i32
        %dma_wait3A_682 = arith.constant 0 : i32
        %dma_wait3A_683 = tpu.memref_slice %arg4[%dma_wait3A_673, %dma_wait3A_674, %dma_wait3A_680, %dma_wait3A_681, %dma_wait3A_682] : memref<50x8x128x8x128xf32, #tpu.memory_space<hbm>> -> memref<1x1x4x8x128xf32, #tpu.memory_space<hbm>>
        %dma_wait3A_684 = tpu.memref_squeeze %dma_wait3A_683 : memref<1x1x4x8x128xf32, #tpu.memory_space<hbm>> -> memref<4x8x128xf32, #tpu.memory_space<hbm>>
        %dma_wait3A_685 = arith.constant 0 : i32
        %dma_wait3A_686 = arith.constant 0 : i32
        %dma_wait3A_687 = arith.constant 0 : i32
        %dma_wait3A_688 = tpu.memref_slice %arg4[%dma_wait3A_673, %dma_wait3A_674, %dma_wait3A_685, %dma_wait3A_686, %dma_wait3A_687] : memref<50x8x128x8x128xf32, #tpu.memory_space<hbm>> -> memref<1x1x4x8x128xf32, #tpu.memory_space<hbm>>
        %dma_wait3A_689 = tpu.memref_squeeze %dma_wait3A_688 : memref<1x1x4x8x128xf32, #tpu.memory_space<hbm>> -> memref<4x8x128xf32, #tpu.memory_space<hbm>>
        %dma_wait3A_690 = arith.constant 0 : i32
        %dma_wait3A_691 = arith.constant 0 : i32
        %dma_wait3A_692 = arith.constant 0 : i32
        %dma_wait3A_693 = tpu.memref_slice %arg8[%dma_wait3A_672, %dma_wait3A_690, %dma_wait3A_691, %dma_wait3A_692] : memref<8x4x8x128xf32, #tpu.memory_space<vmem>> -> memref<1x4x8x128xf32, #tpu.memory_space<vmem>>
        %dma_wait3A_694 = tpu.memref_squeeze %dma_wait3A_693 : memref<1x4x8x128xf32, #tpu.memory_space<vmem>> -> memref<4x8x128xf32, #tpu.memory_space<vmem>>
        tpu.wait_dma2 semaphore(%arg11 : memref<!tpu.dma_semaphore, #tpu.memory_space<semaphore_mem>>) src(%dma_wait3A_694 : memref<4x8x128xf32, #tpu.memory_space<vmem>>) dst(%dma_wait3A_689 : memref<4x8x128xf32, #tpu.memory_space<hbm>>)
        %dma_wait3A_695 = arith.constant 0 : i32
        %dma_wait3A_696 = arith.constant 0 : i32
        %dma_wait3A_697 = arith.constant 0 : i32
        %dma_wait3A_698 = arith.constant 0 : i32
        %dma_wait3A_699 = arith.constant 0 : i32
        %dma_wait3A_700 = arith.constant 0 : i32
        %dma_wait3A_701 = tpu.memref_slice %arg8[%dma_wait3A_695, %dma_wait3A_698, %dma_wait3A_699, %dma_wait3A_700] : memref<8x4x8x128xf32, #tpu.memory_space<vmem>> -> memref<1x4x8x128xf32, #tpu.memory_space<vmem>>
        %dma_wait3A_702 = tpu.memref_squeeze %dma_wait3A_701 : memref<1x4x8x128xf32, #tpu.memory_space<vmem>> -> memref<4x8x128xf32, #tpu.memory_space<vmem>>
        %dma_wait3A_703 = arith.constant 0 : i32
        %dma_wait3A_704 = arith.constant 0 : i32
        %dma_wait3A_705 = arith.constant 0 : i32
        %dma_wait3A_706 = tpu.memref_slice %arg4[%dma_wait3A_696, %dma_wait3A_697, %dma_wait3A_703, %dma_wait3A_704, %dma_wait3A_705] : memref<50x8x128x8x128xf32, #tpu.memory_space<hbm>> -> memref<1x1x4x8x128xf32, #tpu.memory_space<hbm>>
        %dma_wait3A_707 = tpu.memref_squeeze %dma_wait3A_706 : memref<1x1x4x8x128xf32, #tpu.memory_space<hbm>> -> memref<4x8x128xf32, #tpu.memory_space<hbm>>
        %dma_wait3A_708 = arith.constant 0 : i32
        %dma_wait3A_709 = arith.constant 0 : i32
        %dma_wait3A_710 = arith.constant 0 : i32
        %dma_wait3A_711 = tpu.memref_slice %arg4[%dma_wait3A_696, %dma_wait3A_697, %dma_wait3A_708, %dma_wait3A_709, %dma_wait3A_710] : memref<50x8x128x8x128xf32, #tpu.memory_space<hbm>> -> memref<1x1x4x8x128xf32, #tpu.memory_space<hbm>>
        %dma_wait3A_712 = tpu.memref_squeeze %dma_wait3A_711 : memref<1x1x4x8x128xf32, #tpu.memory_space<hbm>> -> memref<4x8x128xf32, #tpu.memory_space<hbm>>
        %dma_wait3A_713 = arith.constant 0 : i32
        %dma_wait3A_714 = arith.constant 0 : i32
        %dma_wait3A_715 = arith.constant 0 : i32
        %dma_wait3A_716 = tpu.memref_slice %arg8[%dma_wait3A_695, %dma_wait3A_713, %dma_wait3A_714, %dma_wait3A_715] : memref<8x4x8x128xf32, #tpu.memory_space<vmem>> -> memref<1x4x8x128xf32, #tpu.memory_space<vmem>>
        %dma_wait3A_717 = tpu.memref_squeeze %dma_wait3A_716 : memref<1x4x8x128xf32, #tpu.memory_space<vmem>> -> memref<4x8x128xf32, #tpu.memory_space<vmem>>
        tpu.wait_dma2 semaphore(%arg11 : memref<!tpu.dma_semaphore, #tpu.memory_space<semaphore_mem>>) src(%dma_wait3A_717 : memref<4x8x128xf32, #tpu.memory_space<vmem>>) dst(%dma_wait3A_712 : memref<4x8x128xf32, #tpu.memory_space<hbm>>)
        %dma_wait3A_718 = arith.constant 0 : i32
        %dma_wait3A_719 = arith.constant 0 : i32
        %dma_wait3A_720 = arith.constant 0 : i32
        %dma_wait3A_721 = arith.constant 0 : i32
        %dma_wait3A_722 = arith.constant 0 : i32
        %dma_wait3A_723 = arith.constant 0 : i32
        %dma_wait3A_724 = tpu.memref_slice %arg8[%dma_wait3A_718, %dma_wait3A_721, %dma_wait3A_722, %dma_wait3A_723] : memref<8x4x8x128xf32, #tpu.memory_space<vmem>> -> memref<1x4x8x128xf32, #tpu.memory_space<vmem>>
        %dma_wait3A_725 = tpu.memref_squeeze %dma_wait3A_724 : memref<1x4x8x128xf32, #tpu.memory_space<vmem>> -> memref<4x8x128xf32, #tpu.memory_space<vmem>>
        %dma_wait3A_726 = arith.constant 0 : i32
        %dma_wait3A_727 = arith.constant 0 : i32
        %dma_wait3A_728 = arith.constant 0 : i32
        %dma_wait3A_729 = tpu.memref_slice %arg4[%dma_wait3A_719, %dma_wait3A_720, %dma_wait3A_726, %dma_wait3A_727, %dma_wait3A_728] : memref<50x8x128x8x128xf32, #tpu.memory_space<hbm>> -> memref<1x1x4x8x128xf32, #tpu.memory_space<hbm>>
        %dma_wait3A_730 = tpu.memref_squeeze %dma_wait3A_729 : memref<1x1x4x8x128xf32, #tpu.memory_space<hbm>> -> memref<4x8x128xf32, #tpu.memory_space<hbm>>
        %dma_wait3A_731 = arith.constant 0 : i32
        %dma_wait3A_732 = arith.constant 0 : i32
        %dma_wait3A_733 = arith.constant 0 : i32
        %dma_wait3A_734 = tpu.memref_slice %arg4[%dma_wait3A_719, %dma_wait3A_720, %dma_wait3A_731, %dma_wait3A_732, %dma_wait3A_733] : memref<50x8x128x8x128xf32, #tpu.memory_space<hbm>> -> memref<1x1x4x8x128xf32, #tpu.memory_space<hbm>>
        %dma_wait3A_735 = tpu.memref_squeeze %dma_wait3A_734 : memref<1x1x4x8x128xf32, #tpu.memory_space<hbm>> -> memref<4x8x128xf32, #tpu.memory_space<hbm>>
        %dma_wait3A_736 = arith.constant 0 : i32
        %dma_wait3A_737 = arith.constant 0 : i32
        %dma_wait3A_738 = arith.constant 0 : i32
        %dma_wait3A_739 = tpu.memref_slice %arg8[%dma_wait3A_718, %dma_wait3A_736, %dma_wait3A_737, %dma_wait3A_738] : memref<8x4x8x128xf32, #tpu.memory_space<vmem>> -> memref<1x4x8x128xf32, #tpu.memory_space<vmem>>
        %dma_wait3A_740 = tpu.memref_squeeze %dma_wait3A_739 : memref<1x4x8x128xf32, #tpu.memory_space<vmem>> -> memref<4x8x128xf32, #tpu.memory_space<vmem>>
        tpu.wait_dma2 semaphore(%arg11 : memref<!tpu.dma_semaphore, #tpu.memory_space<semaphore_mem>>) src(%dma_wait3A_740 : memref<4x8x128xf32, #tpu.memory_space<vmem>>) dst(%dma_wait3A_735 : memref<4x8x128xf32, #tpu.memory_space<hbm>>)
        %dma_wait3A_741 = arith.constant 0 : i32
        %dma_wait3A_742 = arith.constant 0 : i32
        %dma_wait3A_743 = arith.constant 0 : i32
        %dma_wait3A_744 = arith.constant 0 : i32
        %dma_wait3A_745 = arith.constant 0 : i32
        %dma_wait3A_746 = arith.constant 0 : i32
        %dma_wait3A_747 = tpu.memref_slice %arg8[%dma_wait3A_741, %dma_wait3A_744, %dma_wait3A_745, %dma_wait3A_746] : memref<8x4x8x128xf32, #tpu.memory_space<vmem>> -> memref<1x4x8x128xf32, #tpu.memory_space<vmem>>
        %dma_wait3A_748 = tpu.memref_squeeze %dma_wait3A_747 : memref<1x4x8x128xf32, #tpu.memory_space<vmem>> -> memref<4x8x128xf32, #tpu.memory_space<vmem>>
        %dma_wait3A_749 = arith.constant 0 : i32
        %dma_wait3A_750 = arith.constant 0 : i32
        %dma_wait3A_751 = arith.constant 0 : i32
        %dma_wait3A_752 = tpu.memref_slice %arg4[%dma_wait3A_742, %dma_wait3A_743, %dma_wait3A_749, %dma_wait3A_750, %dma_wait3A_751] : memref<50x8x128x8x128xf32, #tpu.memory_space<hbm>> -> memref<1x1x4x8x128xf32, #tpu.memory_space<hbm>>
        %dma_wait3A_753 = tpu.memref_squeeze %dma_wait3A_752 : memref<1x1x4x8x128xf32, #tpu.memory_space<hbm>> -> memref<4x8x128xf32, #tpu.memory_space<hbm>>
        %dma_wait3A_754 = arith.constant 0 : i32
        %dma_wait3A_755 = arith.constant 0 : i32
        %dma_wait3A_756 = arith.constant 0 : i32
        %dma_wait3A_757 = tpu.memref_slice %arg4[%dma_wait3A_742, %dma_wait3A_743, %dma_wait3A_754, %dma_wait3A_755, %dma_wait3A_756] : memref<50x8x128x8x128xf32, #tpu.memory_space<hbm>> -> memref<1x1x4x8x128xf32, #tpu.memory_space<hbm>>
        %dma_wait3A_758 = tpu.memref_squeeze %dma_wait3A_757 : memref<1x1x4x8x128xf32, #tpu.memory_space<hbm>> -> memref<4x8x128xf32, #tpu.memory_space<hbm>>
        %dma_wait3A_759 = arith.constant 0 : i32
        %dma_wait3A_760 = arith.constant 0 : i32
        %dma_wait3A_761 = arith.constant 0 : i32
        %dma_wait3A_762 = tpu.memref_slice %arg8[%dma_wait3A_741, %dma_wait3A_759, %dma_wait3A_760, %dma_wait3A_761] : memref<8x4x8x128xf32, #tpu.memory_space<vmem>> -> memref<1x4x8x128xf32, #tpu.memory_space<vmem>>
        %dma_wait3A_763 = tpu.memref_squeeze %dma_wait3A_762 : memref<1x4x8x128xf32, #tpu.memory_space<vmem>> -> memref<4x8x128xf32, #tpu.memory_space<vmem>>
        tpu.wait_dma2 semaphore(%arg11 : memref<!tpu.dma_semaphore, #tpu.memory_space<semaphore_mem>>) src(%dma_wait3A_763 : memref<4x8x128xf32, #tpu.memory_space<vmem>>) dst(%dma_wait3A_758 : memref<4x8x128xf32, #tpu.memory_space<hbm>>)
        %dma_wait3A_764 = arith.constant 0 : i32
        %dma_wait3A_765 = arith.constant 0 : i32
        %dma_wait3A_766 = arith.constant 0 : i32
        %dma_wait3A_767 = arith.constant 0 : i32
        %dma_wait3A_768 = arith.constant 0 : i32
        %dma_wait3A_769 = arith.constant 0 : i32
        %dma_wait3A_770 = tpu.memref_slice %arg8[%dma_wait3A_764, %dma_wait3A_767, %dma_wait3A_768, %dma_wait3A_769] : memref<8x4x8x128xf32, #tpu.memory_space<vmem>> -> memref<1x4x8x128xf32, #tpu.memory_space<vmem>>
        %dma_wait3A_771 = tpu.memref_squeeze %dma_wait3A_770 : memref<1x4x8x128xf32, #tpu.memory_space<vmem>> -> memref<4x8x128xf32, #tpu.memory_space<vmem>>
        %dma_wait3A_772 = arith.constant 0 : i32
        %dma_wait3A_773 = arith.constant 0 : i32
        %dma_wait3A_774 = arith.constant 0 : i32
        %dma_wait3A_775 = tpu.memref_slice %arg4[%dma_wait3A_765, %dma_wait3A_766, %dma_wait3A_772, %dma_wait3A_773, %dma_wait3A_774] : memref<50x8x128x8x128xf32, #tpu.memory_space<hbm>> -> memref<1x1x4x8x128xf32, #tpu.memory_space<hbm>>
        %dma_wait3A_776 = tpu.memref_squeeze %dma_wait3A_775 : memref<1x1x4x8x128xf32, #tpu.memory_space<hbm>> -> memref<4x8x128xf32, #tpu.memory_space<hbm>>
        %dma_wait3A_777 = arith.constant 0 : i32
        %dma_wait3A_778 = arith.constant 0 : i32
        %dma_wait3A_779 = arith.constant 0 : i32
        %dma_wait3A_780 = tpu.memref_slice %arg4[%dma_wait3A_765, %dma_wait3A_766, %dma_wait3A_777, %dma_wait3A_778, %dma_wait3A_779] : memref<50x8x128x8x128xf32, #tpu.memory_space<hbm>> -> memref<1x1x4x8x128xf32, #tpu.memory_space<hbm>>
        %dma_wait3A_781 = tpu.memref_squeeze %dma_wait3A_780 : memref<1x1x4x8x128xf32, #tpu.memory_space<hbm>> -> memref<4x8x128xf32, #tpu.memory_space<hbm>>
        %dma_wait3A_782 = arith.constant 0 : i32
        %dma_wait3A_783 = arith.constant 0 : i32
        %dma_wait3A_784 = arith.constant 0 : i32
        %dma_wait3A_785 = tpu.memref_slice %arg8[%dma_wait3A_764, %dma_wait3A_782, %dma_wait3A_783, %dma_wait3A_784] : memref<8x4x8x128xf32, #tpu.memory_space<vmem>> -> memref<1x4x8x128xf32, #tpu.memory_space<vmem>>
        %dma_wait3A_786 = tpu.memref_squeeze %dma_wait3A_785 : memref<1x4x8x128xf32, #tpu.memory_space<vmem>> -> memref<4x8x128xf32, #tpu.memory_space<vmem>>
        tpu.wait_dma2 semaphore(%arg11 : memref<!tpu.dma_semaphore, #tpu.memory_space<semaphore_mem>>) src(%dma_wait3A_786 : memref<4x8x128xf32, #tpu.memory_space<vmem>>) dst(%dma_wait3A_781 : memref<4x8x128xf32, #tpu.memory_space<hbm>>)
        %dma_wait3A_787 = arith.constant 0 : i32
        %dma_wait3A_788 = arith.constant 0 : i32
        %dma_wait3A_789 = arith.constant 0 : i32
        %dma_wait3A_790 = arith.constant 0 : i32
        %dma_wait3A_791 = arith.constant 0 : i32
        %dma_wait3A_792 = arith.constant 0 : i32
        %dma_wait3A_793 = tpu.memref_slice %arg8[%dma_wait3A_787, %dma_wait3A_790, %dma_wait3A_791, %dma_wait3A_792] : memref<8x4x8x128xf32, #tpu.memory_space<vmem>> -> memref<1x4x8x128xf32, #tpu.memory_space<vmem>>
        %dma_wait3A_794 = tpu.memref_squeeze %dma_wait3A_793 : memref<1x4x8x128xf32, #tpu.memory_space<vmem>> -> memref<4x8x128xf32, #tpu.memory_space<vmem>>
        %dma_wait3A_795 = arith.constant 0 : i32
        %dma_wait3A_796 = arith.constant 0 : i32
        %dma_wait3A_797 = arith.constant 0 : i32
        %dma_wait3A_798 = tpu.memref_slice %arg4[%dma_wait3A_788, %dma_wait3A_789, %dma_wait3A_795, %dma_wait3A_796, %dma_wait3A_797] : memref<50x8x128x8x128xf32, #tpu.memory_space<hbm>> -> memref<1x1x4x8x128xf32, #tpu.memory_space<hbm>>
        %dma_wait3A_799 = tpu.memref_squeeze %dma_wait3A_798 : memref<1x1x4x8x128xf32, #tpu.memory_space<hbm>> -> memref<4x8x128xf32, #tpu.memory_space<hbm>>
        %dma_wait3A_800 = arith.constant 0 : i32
        %dma_wait3A_801 = arith.constant 0 : i32
        %dma_wait3A_802 = arith.constant 0 : i32
        %dma_wait3A_803 = tpu.memref_slice %arg4[%dma_wait3A_788, %dma_wait3A_789, %dma_wait3A_800, %dma_wait3A_801, %dma_wait3A_802] : memref<50x8x128x8x128xf32, #tpu.memory_space<hbm>> -> memref<1x1x4x8x128xf32, #tpu.memory_space<hbm>>
        %dma_wait3A_804 = tpu.memref_squeeze %dma_wait3A_803 : memref<1x1x4x8x128xf32, #tpu.memory_space<hbm>> -> memref<4x8x128xf32, #tpu.memory_space<hbm>>
        %dma_wait3A_805 = arith.constant 0 : i32
        %dma_wait3A_806 = arith.constant 0 : i32
        %dma_wait3A_807 = arith.constant 0 : i32
        %dma_wait3A_808 = tpu.memref_slice %arg8[%dma_wait3A_787, %dma_wait3A_805, %dma_wait3A_806, %dma_wait3A_807] : memref<8x4x8x128xf32, #tpu.memory_space<vmem>> -> memref<1x4x8x128xf32, #tpu.memory_space<vmem>>
        %dma_wait3A_809 = tpu.memref_squeeze %dma_wait3A_808 : memref<1x4x8x128xf32, #tpu.memory_space<vmem>> -> memref<4x8x128xf32, #tpu.memory_space<vmem>>
        tpu.wait_dma2 semaphore(%arg11 : memref<!tpu.dma_semaphore, #tpu.memory_space<semaphore_mem>>) src(%dma_wait3A_809 : memref<4x8x128xf32, #tpu.memory_space<vmem>>) dst(%dma_wait3A_804 : memref<4x8x128xf32, #tpu.memory_space<hbm>>)
        %dma_wait3A_810 = arith.constant 0 : i32
        %dma_wait3A_811 = arith.constant 0 : i32
        %dma_wait3A_812 = arith.constant 0 : i32
        %dma_wait3A_813 = arith.constant 0 : i32
        %dma_wait3A_814 = arith.constant 0 : i32
        %dma_wait3A_815 = arith.constant 0 : i32
        %dma_wait3A_816 = tpu.memref_slice %arg8[%dma_wait3A_810, %dma_wait3A_813, %dma_wait3A_814, %dma_wait3A_815] : memref<8x4x8x128xf32, #tpu.memory_space<vmem>> -> memref<1x4x8x128xf32, #tpu.memory_space<vmem>>
        %dma_wait3A_817 = tpu.memref_squeeze %dma_wait3A_816 : memref<1x4x8x128xf32, #tpu.memory_space<vmem>> -> memref<4x8x128xf32, #tpu.memory_space<vmem>>
        %dma_wait3A_818 = arith.constant 0 : i32
        %dma_wait3A_819 = arith.constant 0 : i32
        %dma_wait3A_820 = arith.constant 0 : i32
        %dma_wait3A_821 = tpu.memref_slice %arg4[%dma_wait3A_811, %dma_wait3A_812, %dma_wait3A_818, %dma_wait3A_819, %dma_wait3A_820] : memref<50x8x128x8x128xf32, #tpu.memory_space<hbm>> -> memref<1x1x4x8x128xf32, #tpu.memory_space<hbm>>
        %dma_wait3A_822 = tpu.memref_squeeze %dma_wait3A_821 : memref<1x1x4x8x128xf32, #tpu.memory_space<hbm>> -> memref<4x8x128xf32, #tpu.memory_space<hbm>>
        %dma_wait3A_823 = arith.constant 0 : i32
        %dma_wait3A_824 = arith.constant 0 : i32
        %dma_wait3A_825 = arith.constant 0 : i32
        %dma_wait3A_826 = tpu.memref_slice %arg4[%dma_wait3A_811, %dma_wait3A_812, %dma_wait3A_823, %dma_wait3A_824, %dma_wait3A_825] : memref<50x8x128x8x128xf32, #tpu.memory_space<hbm>> -> memref<1x1x4x8x128xf32, #tpu.memory_space<hbm>>
        %dma_wait3A_827 = tpu.memref_squeeze %dma_wait3A_826 : memref<1x1x4x8x128xf32, #tpu.memory_space<hbm>> -> memref<4x8x128xf32, #tpu.memory_space<hbm>>
        %dma_wait3A_828 = arith.constant 0 : i32
        %dma_wait3A_829 = arith.constant 0 : i32
        %dma_wait3A_830 = arith.constant 0 : i32
        %dma_wait3A_831 = tpu.memref_slice %arg8[%dma_wait3A_810, %dma_wait3A_828, %dma_wait3A_829, %dma_wait3A_830] : memref<8x4x8x128xf32, #tpu.memory_space<vmem>> -> memref<1x4x8x128xf32, #tpu.memory_space<vmem>>
        %dma_wait3A_832 = tpu.memref_squeeze %dma_wait3A_831 : memref<1x4x8x128xf32, #tpu.memory_space<vmem>> -> memref<4x8x128xf32, #tpu.memory_space<vmem>>
        tpu.wait_dma2 semaphore(%arg11 : memref<!tpu.dma_semaphore, #tpu.memory_space<semaphore_mem>>) src(%dma_wait3A_832 : memref<4x8x128xf32, #tpu.memory_space<vmem>>) dst(%dma_wait3A_827 : memref<4x8x128xf32, #tpu.memory_space<hbm>>)
        %dma_wait3A_833 = arith.constant 0 : i32
        %dma_wait3A_834 = arith.constant 0 : i32
        %dma_wait3A_835 = arith.constant 0 : i32
        %dma_wait3A_836 = arith.constant 0 : i32
        %dma_wait3A_837 = arith.constant 0 : i32
        %dma_wait3A_838 = arith.constant 0 : i32
        %dma_wait3A_839 = tpu.memref_slice %arg8[%dma_wait3A_833, %dma_wait3A_836, %dma_wait3A_837, %dma_wait3A_838] : memref<8x4x8x128xf32, #tpu.memory_space<vmem>> -> memref<1x4x8x128xf32, #tpu.memory_space<vmem>>
        %dma_wait3A_840 = tpu.memref_squeeze %dma_wait3A_839 : memref<1x4x8x128xf32, #tpu.memory_space<vmem>> -> memref<4x8x128xf32, #tpu.memory_space<vmem>>
        %dma_wait3A_841 = arith.constant 0 : i32
        %dma_wait3A_842 = arith.constant 0 : i32
        %dma_wait3A_843 = arith.constant 0 : i32
        %dma_wait3A_844 = tpu.memref_slice %arg4[%dma_wait3A_834, %dma_wait3A_835, %dma_wait3A_841, %dma_wait3A_842, %dma_wait3A_843] : memref<50x8x128x8x128xf32, #tpu.memory_space<hbm>> -> memref<1x1x4x8x128xf32, #tpu.memory_space<hbm>>
        %dma_wait3A_845 = tpu.memref_squeeze %dma_wait3A_844 : memref<1x1x4x8x128xf32, #tpu.memory_space<hbm>> -> memref<4x8x128xf32, #tpu.memory_space<hbm>>
        %dma_wait3A_846 = arith.constant 0 : i32
        %dma_wait3A_847 = arith.constant 0 : i32
        %dma_wait3A_848 = arith.constant 0 : i32
        %dma_wait3A_849 = tpu.memref_slice %arg4[%dma_wait3A_834, %dma_wait3A_835, %dma_wait3A_846, %dma_wait3A_847, %dma_wait3A_848] : memref<50x8x128x8x128xf32, #tpu.memory_space<hbm>> -> memref<1x1x4x8x128xf32, #tpu.memory_space<hbm>>
        %dma_wait3A_850 = tpu.memref_squeeze %dma_wait3A_849 : memref<1x1x4x8x128xf32, #tpu.memory_space<hbm>> -> memref<4x8x128xf32, #tpu.memory_space<hbm>>
        %dma_wait3A_851 = arith.constant 0 : i32
        %dma_wait3A_852 = arith.constant 0 : i32
        %dma_wait3A_853 = arith.constant 0 : i32
        %dma_wait3A_854 = tpu.memref_slice %arg8[%dma_wait3A_833, %dma_wait3A_851, %dma_wait3A_852, %dma_wait3A_853] : memref<8x4x8x128xf32, #tpu.memory_space<vmem>> -> memref<1x4x8x128xf32, #tpu.memory_space<vmem>>
        %dma_wait3A_855 = tpu.memref_squeeze %dma_wait3A_854 : memref<1x4x8x128xf32, #tpu.memory_space<vmem>> -> memref<4x8x128xf32, #tpu.memory_space<vmem>>
        tpu.wait_dma2 semaphore(%arg11 : memref<!tpu.dma_semaphore, #tpu.memory_space<semaphore_mem>>) src(%dma_wait3A_855 : memref<4x8x128xf32, #tpu.memory_space<vmem>>) dst(%dma_wait3A_850 : memref<4x8x128xf32, #tpu.memory_space<hbm>>)
      } else {
      }
      %scan3A_491 = arith.constant 0 : i32
      %scan3A_492 = arith.constant 16 : i32
      %scan3A_493 = arith.addi %scan3A_491, %scan3A_492 : i32
      %scan3A_494 = arith.constant 1 : i32
      scf.for %scan3A_672 = %scan3A_491 to %scan3A_493 step %scan3A_494  : i32 {
        %mul3A_673 = arith.constant 1 : i32
        %mul3A_674 = arith.muli %scan3A_672, %mul3A_673 : i32
        %add3A_675 = arith.constant 0 : i32
        %add3A_676 = arith.addi %add3A_675, %mul3A_674 : i32
        %add3A_677 = vector.broadcast %add3A_676 : i32 to vector<16xi32>
        %add3A_678 = arith.addi %iota3A, %add3A_677 : vector<16xi32>
        %and3A_679 = arith.constant 15 : i32
        %and3A_680 = vector.broadcast %and3A_679 : i32 to vector<16xi32>
        %and3A_681 = arith.andi %add3A_678, %and3A_680 : vector<16xi32>
        %shift_right_arithmetic3A = arith.constant 3 : i32
        %shift_right_arithmetic3A_682 = vector.broadcast %shift_right_arithmetic3A : i32 to vector<16xi32>
        %shift_right_arithmetic3A_683 = arith.shrsi %and3A_681, %shift_right_arithmetic3A_682 : vector<16xi32>
        %and3A_684 = arith.constant 7 : i32
        %and3A_685 = vector.broadcast %and3A_684 : i32 to vector<16xi32>
        %and3A_686 = arith.andi %and3A_681, %and3A_685 : vector<16xi32>
        %scan3A_687 = arith.constant 0 : i32
        %scan3A_688 = arith.constant 32 : i32
        %scan3A_689 = arith.addi %scan3A_687, %scan3A_688 : i32
        %scan3A_690 = arith.constant 4 : i32
        scf.for %scan3A_692 = %scan3A_687 to %scan3A_689 step %scan3A_690  : i32 {
          %mul3A_693 = arith.constant 1 : i32
          %mul3A_694 = arith.muli %scan3A_692, %mul3A_693 : i32
          %add3A_695 = arith.constant 0 : i32
          %add3A_696 = arith.addi %add3A_695, %mul3A_694 : i32
          %mul3A_697 = arith.constant 16 : i32
          %mul3A_698 = arith.muli %add3A_696, %mul3A_697 : i32
          %add3A_699 = vector.broadcast %mul3A_698 : i32 to vector<16xi32>
          %add3A_700 = arith.addi %iota3A, %add3A_699 : vector<16xi32>
          %and3A_701 = arith.constant 7 : i32
          %and3A_702 = arith.andi %add3A_696, %and3A_701 : i32
          %mul3A_703 = arith.constant 16 : i32
          %mul3A_704 = arith.muli %and3A_702, %mul3A_703 : i32
          %add3A_705 = vector.broadcast %mul3A_704 : i32 to vector<16xi32>
          %add3A_706 = arith.addi %iota3A, %add3A_705 : vector<16xi32>
          %broadcast_in_dim3A = arith.constant 0 : i32
          %broadcast_in_dim3A_707 = vector.broadcast %broadcast_in_dim3A : i32 to vector<16xi32>
          %shift_right_arithmetic3A_708 = arith.constant 3 : i32
          %shift_right_arithmetic3A_709 = arith.shrsi %add3A_696, %shift_right_arithmetic3A_708 : i32
          %add3A_710 = vector.broadcast %shift_right_arithmetic3A_709 : i32 to vector<16xi32>
          %add3A_711 = arith.addi %broadcast_in_dim3A_707, %add3A_710 : vector<16xi32>
          %add3A_712 = arith.constant 0 : i32
          %add3A_713 = vector.broadcast %add3A_712 : i32 to vector<16xi32>
          %add3A_714 = arith.addi %and3A_681, %add3A_713 : vector<16xi32>
          %add3A_715 = arith.constant 0 : i32
          %add3A_716 = vector.broadcast %add3A_715 : i32 to vector<16xi32>
          %add3A_717 = arith.addi %shift_right_arithmetic3A_683, %add3A_716 : vector<16xi32>
          %gather3A = tpu.vector_load_idx %arg7[%add3A_700, %add3A_714] : memref<512x64xf32, #tpu.memory_space<vmem>>[vector<16xi32>, vector<16xi32>], vector<16xf32>,
          tpu.vector_store_idx %arg8[%add3A_717, %add3A_711, %and3A_686, %add3A_706], %gather3A : memref<8x4x8x128xf32, #tpu.memory_space<vmem>>[vector<16xi32>, vector<16xi32>, vector<16xi32>, vector<16xi32>], vector<16xf32>,
          %add3A_718 = arith.constant 16 : i32
          %add3A_719 = vector.broadcast %add3A_718 : i32 to vector<16xi32>
          %add3A_720 = arith.addi %and3A_681, %add3A_719 : vector<16xi32>
          %add3A_721 = arith.constant 2 : i32
          %add3A_722 = vector.broadcast %add3A_721 : i32 to vector<16xi32>
          %add3A_723 = arith.addi %shift_right_arithmetic3A_683, %add3A_722 : vector<16xi32>
          %gather3A_724 = tpu.vector_load_idx %arg7[%add3A_700, %add3A_720] : memref<512x64xf32, #tpu.memory_space<vmem>>[vector<16xi32>, vector<16xi32>], vector<16xf32>,
          tpu.vector_store_idx %arg8[%add3A_723, %add3A_711, %and3A_686, %add3A_706], %gather3A_724 : memref<8x4x8x128xf32, #tpu.memory_space<vmem>>[vector<16xi32>, vector<16xi32>, vector<16xi32>, vector<16xi32>], vector<16xf32>,
          %add3A_725 = arith.constant 32 : i32
          %add3A_726 = vector.broadcast %add3A_725 : i32 to vector<16xi32>
          %add3A_727 = arith.addi %and3A_681, %add3A_726 : vector<16xi32>
          %add3A_728 = arith.constant 4 : i32
          %add3A_729 = vector.broadcast %add3A_728 : i32 to vector<16xi32>
          %add3A_730 = arith.addi %shift_right_arithmetic3A_683, %add3A_729 : vector<16xi32>
          %gather3A_731 = tpu.vector_load_idx %arg7[%add3A_700, %add3A_727] : memref<512x64xf32, #tpu.memory_space<vmem>>[vector<16xi32>, vector<16xi32>], vector<16xf32>,
          tpu.vector_store_idx %arg8[%add3A_730, %add3A_711, %and3A_686, %add3A_706], %gather3A_731 : memref<8x4x8x128xf32, #tpu.memory_space<vmem>>[vector<16xi32>, vector<16xi32>, vector<16xi32>, vector<16xi32>], vector<16xf32>,
          %add3A_732 = arith.constant 48 : i32
          %add3A_733 = vector.broadcast %add3A_732 : i32 to vector<16xi32>
          %add3A_734 = arith.addi %and3A_681, %add3A_733 : vector<16xi32>
          %add3A_735 = arith.constant 6 : i32
          %add3A_736 = vector.broadcast %add3A_735 : i32 to vector<16xi32>
          %add3A_737 = arith.addi %shift_right_arithmetic3A_683, %add3A_736 : vector<16xi32>
          %gather3A_738 = tpu.vector_load_idx %arg7[%add3A_700, %add3A_734] : memref<512x64xf32, #tpu.memory_space<vmem>>[vector<16xi32>, vector<16xi32>], vector<16xf32>,
          tpu.vector_store_idx %arg8[%add3A_737, %add3A_711, %and3A_686, %add3A_706], %gather3A_738 : memref<8x4x8x128xf32, #tpu.memory_space<vmem>>[vector<16xi32>, vector<16xi32>, vector<16xi32>, vector<16xi32>], vector<16xf32>,
          %scan3A_739 = arith.constant 1 : i32
          %scan3A_740 = arith.addi %scan3A_692, %scan3A_739 : i32
          %mul3A_741 = arith.constant 1 : i32
          %mul3A_742 = arith.muli %scan3A_740, %mul3A_741 : i32
          %add3A_743 = arith.constant 0 : i32
          %add3A_744 = arith.addi %add3A_743, %mul3A_742 : i32
          %mul3A_745 = arith.constant 16 : i32
          %mul3A_746 = arith.muli %add3A_744, %mul3A_745 : i32
          %add3A_747 = vector.broadcast %mul3A_746 : i32 to vector<16xi32>
          %add3A_748 = arith.addi %iota3A, %add3A_747 : vector<16xi32>
          %and3A_749 = arith.constant 7 : i32
          %and3A_750 = arith.andi %add3A_744, %and3A_749 : i32
          %mul3A_751 = arith.constant 16 : i32
          %mul3A_752 = arith.muli %and3A_750, %mul3A_751 : i32
          %add3A_753 = vector.broadcast %mul3A_752 : i32 to vector<16xi32>
          %add3A_754 = arith.addi %iota3A, %add3A_753 : vector<16xi32>
          %broadcast_in_dim3A_755 = arith.constant 0 : i32
          %broadcast_in_dim3A_756 = vector.broadcast %broadcast_in_dim3A_755 : i32 to vector<16xi32>
          %shift_right_arithmetic3A_757 = arith.constant 3 : i32
          %shift_right_arithmetic3A_758 = arith.shrsi %add3A_744, %shift_right_arithmetic3A_757 : i32
          %add3A_759 = vector.broadcast %shift_right_arithmetic3A_758 : i32 to vector<16xi32>
          %add3A_760 = arith.addi %broadcast_in_dim3A_756, %add3A_759 : vector<16xi32>
          %add3A_761 = arith.constant 0 : i32
          %add3A_762 = vector.broadcast %add3A_761 : i32 to vector<16xi32>
          %add3A_763 = arith.addi %and3A_681, %add3A_762 : vector<16xi32>
          %add3A_764 = arith.constant 0 : i32
          %add3A_765 = vector.broadcast %add3A_764 : i32 to vector<16xi32>
          %add3A_766 = arith.addi %shift_right_arithmetic3A_683, %add3A_765 : vector<16xi32>
          %gather3A_767 = tpu.vector_load_idx %arg7[%add3A_748, %add3A_763] : memref<512x64xf32, #tpu.memory_space<vmem>>[vector<16xi32>, vector<16xi32>], vector<16xf32>,
          tpu.vector_store_idx %arg8[%add3A_766, %add3A_760, %and3A_686, %add3A_754], %gather3A_767 : memref<8x4x8x128xf32, #tpu.memory_space<vmem>>[vector<16xi32>, vector<16xi32>, vector<16xi32>, vector<16xi32>], vector<16xf32>,
          %add3A_768 = arith.constant 16 : i32
          %add3A_769 = vector.broadcast %add3A_768 : i32 to vector<16xi32>
          %add3A_770 = arith.addi %and3A_681, %add3A_769 : vector<16xi32>
          %add3A_771 = arith.constant 2 : i32
          %add3A_772 = vector.broadcast %add3A_771 : i32 to vector<16xi32>
          %add3A_773 = arith.addi %shift_right_arithmetic3A_683, %add3A_772 : vector<16xi32>
          %gather3A_774 = tpu.vector_load_idx %arg7[%add3A_748, %add3A_770] : memref<512x64xf32, #tpu.memory_space<vmem>>[vector<16xi32>, vector<16xi32>], vector<16xf32>,
          tpu.vector_store_idx %arg8[%add3A_773, %add3A_760, %and3A_686, %add3A_754], %gather3A_774 : memref<8x4x8x128xf32, #tpu.memory_space<vmem>>[vector<16xi32>, vector<16xi32>, vector<16xi32>, vector<16xi32>], vector<16xf32>,
          %add3A_775 = arith.constant 32 : i32
          %add3A_776 = vector.broadcast %add3A_775 : i32 to vector<16xi32>
          %add3A_777 = arith.addi %and3A_681, %add3A_776 : vector<16xi32>
          %add3A_778 = arith.constant 4 : i32
          %add3A_779 = vector.broadcast %add3A_778 : i32 to vector<16xi32>
          %add3A_780 = arith.addi %shift_right_arithmetic3A_683, %add3A_779 : vector<16xi32>
          %gather3A_781 = tpu.vector_load_idx %arg7[%add3A_748, %add3A_777] : memref<512x64xf32, #tpu.memory_space<vmem>>[vector<16xi32>, vector<16xi32>], vector<16xf32>,
          tpu.vector_store_idx %arg8[%add3A_780, %add3A_760, %and3A_686, %add3A_754], %gather3A_781 : memref<8x4x8x128xf32, #tpu.memory_space<vmem>>[vector<16xi32>, vector<16xi32>, vector<16xi32>, vector<16xi32>], vector<16xf32>,
          %add3A_782 = arith.constant 48 : i32
          %add3A_783 = vector.broadcast %add3A_782 : i32 to vector<16xi32>
          %add3A_784 = arith.addi %and3A_681, %add3A_783 : vector<16xi32>
          %add3A_785 = arith.constant 6 : i32
          %add3A_786 = vector.broadcast %add3A_785 : i32 to vector<16xi32>
          %add3A_787 = arith.addi %shift_right_arithmetic3A_683, %add3A_786 : vector<16xi32>
          %gather3A_788 = tpu.vector_load_idx %arg7[%add3A_748, %add3A_784] : memref<512x64xf32, #tpu.memory_space<vmem>>[vector<16xi32>, vector<16xi32>], vector<16xf32>,
          tpu.vector_store_idx %arg8[%add3A_787, %add3A_760, %and3A_686, %add3A_754], %gather3A_788 : memref<8x4x8x128xf32, #tpu.memory_space<vmem>>[vector<16xi32>, vector<16xi32>, vector<16xi32>, vector<16xi32>], vector<16xf32>,
          %scan3A_789 = arith.constant 2 : i32
          %scan3A_790 = arith.addi %scan3A_692, %scan3A_789 : i32
          %mul3A_791 = arith.constant 1 : i32
          %mul3A_792 = arith.muli %scan3A_790, %mul3A_791 : i32
          %add3A_793 = arith.constant 0 : i32
          %add3A_794 = arith.addi %add3A_793, %mul3A_792 : i32
          %mul3A_795 = arith.constant 16 : i32
          %mul3A_796 = arith.muli %add3A_794, %mul3A_795 : i32
          %add3A_797 = vector.broadcast %mul3A_796 : i32 to vector<16xi32>
          %add3A_798 = arith.addi %iota3A, %add3A_797 : vector<16xi32>
          %and3A_799 = arith.constant 7 : i32
          %and3A_800 = arith.andi %add3A_794, %and3A_799 : i32
          %mul3A_801 = arith.constant 16 : i32
          %mul3A_802 = arith.muli %and3A_800, %mul3A_801 : i32
          %add3A_803 = vector.broadcast %mul3A_802 : i32 to vector<16xi32>
          %add3A_804 = arith.addi %iota3A, %add3A_803 : vector<16xi32>
          %broadcast_in_dim3A_805 = arith.constant 0 : i32
          %broadcast_in_dim3A_806 = vector.broadcast %broadcast_in_dim3A_805 : i32 to vector<16xi32>
          %shift_right_arithmetic3A_807 = arith.constant 3 : i32
          %shift_right_arithmetic3A_808 = arith.shrsi %add3A_794, %shift_right_arithmetic3A_807 : i32
          %add3A_809 = vector.broadcast %shift_right_arithmetic3A_808 : i32 to vector<16xi32>
          %add3A_810 = arith.addi %broadcast_in_dim3A_806, %add3A_809 : vector<16xi32>
          %add3A_811 = arith.constant 0 : i32
          %add3A_812 = vector.broadcast %add3A_811 : i32 to vector<16xi32>
          %add3A_813 = arith.addi %and3A_681, %add3A_812 : vector<16xi32>
          %add3A_814 = arith.constant 0 : i32
          %add3A_815 = vector.broadcast %add3A_814 : i32 to vector<16xi32>
          %add3A_816 = arith.addi %shift_right_arithmetic3A_683, %add3A_815 : vector<16xi32>
          %gather3A_817 = tpu.vector_load_idx %arg7[%add3A_798, %add3A_813] : memref<512x64xf32, #tpu.memory_space<vmem>>[vector<16xi32>, vector<16xi32>], vector<16xf32>,
          tpu.vector_store_idx %arg8[%add3A_816, %add3A_810, %and3A_686, %add3A_804], %gather3A_817 : memref<8x4x8x128xf32, #tpu.memory_space<vmem>>[vector<16xi32>, vector<16xi32>, vector<16xi32>, vector<16xi32>], vector<16xf32>,
          %add3A_818 = arith.constant 16 : i32
          %add3A_819 = vector.broadcast %add3A_818 : i32 to vector<16xi32>
          %add3A_820 = arith.addi %and3A_681, %add3A_819 : vector<16xi32>
          %add3A_821 = arith.constant 2 : i32
          %add3A_822 = vector.broadcast %add3A_821 : i32 to vector<16xi32>
          %add3A_823 = arith.addi %shift_right_arithmetic3A_683, %add3A_822 : vector<16xi32>
          %gather3A_824 = tpu.vector_load_idx %arg7[%add3A_798, %add3A_820] : memref<512x64xf32, #tpu.memory_space<vmem>>[vector<16xi32>, vector<16xi32>], vector<16xf32>,
          tpu.vector_store_idx %arg8[%add3A_823, %add3A_810, %and3A_686, %add3A_804], %gather3A_824 : memref<8x4x8x128xf32, #tpu.memory_space<vmem>>[vector<16xi32>, vector<16xi32>, vector<16xi32>, vector<16xi32>], vector<16xf32>,
          %add3A_825 = arith.constant 32 : i32
          %add3A_826 = vector.broadcast %add3A_825 : i32 to vector<16xi32>
          %add3A_827 = arith.addi %and3A_681, %add3A_826 : vector<16xi32>
          %add3A_828 = arith.constant 4 : i32
          %add3A_829 = vector.broadcast %add3A_828 : i32 to vector<16xi32>
          %add3A_830 = arith.addi %shift_right_arithmetic3A_683, %add3A_829 : vector<16xi32>
          %gather3A_831 = tpu.vector_load_idx %arg7[%add3A_798, %add3A_827] : memref<512x64xf32, #tpu.memory_space<vmem>>[vector<16xi32>, vector<16xi32>], vector<16xf32>,
          tpu.vector_store_idx %arg8[%add3A_830, %add3A_810, %and3A_686, %add3A_804], %gather3A_831 : memref<8x4x8x128xf32, #tpu.memory_space<vmem>>[vector<16xi32>, vector<16xi32>, vector<16xi32>, vector<16xi32>], vector<16xf32>,
          %add3A_832 = arith.constant 48 : i32
          %add3A_833 = vector.broadcast %add3A_832 : i32 to vector<16xi32>
          %add3A_834 = arith.addi %and3A_681, %add3A_833 : vector<16xi32>
          %add3A_835 = arith.constant 6 : i32
          %add3A_836 = vector.broadcast %add3A_835 : i32 to vector<16xi32>
          %add3A_837 = arith.addi %shift_right_arithmetic3A_683, %add3A_836 : vector<16xi32>
          %gather3A_838 = tpu.vector_load_idx %arg7[%add3A_798, %add3A_834] : memref<512x64xf32, #tpu.memory_space<vmem>>[vector<16xi32>, vector<16xi32>], vector<16xf32>,
          tpu.vector_store_idx %arg8[%add3A_837, %add3A_810, %and3A_686, %add3A_804], %gather3A_838 : memref<8x4x8x128xf32, #tpu.memory_space<vmem>>[vector<16xi32>, vector<16xi32>, vector<16xi32>, vector<16xi32>], vector<16xf32>,
          %scan3A_839 = arith.constant 3 : i32
          %scan3A_840 = arith.addi %scan3A_692, %scan3A_839 : i32
          %mul3A_841 = arith.constant 1 : i32
          %mul3A_842 = arith.muli %scan3A_840, %mul3A_841 : i32
          %add3A_843 = arith.constant 0 : i32
          %add3A_844 = arith.addi %add3A_843, %mul3A_842 : i32
          %mul3A_845 = arith.constant 16 : i32
          %mul3A_846 = arith.muli %add3A_844, %mul3A_845 : i32
          %add3A_847 = vector.broadcast %mul3A_846 : i32 to vector<16xi32>
          %add3A_848 = arith.addi %iota3A, %add3A_847 : vector<16xi32>
          %and3A_849 = arith.constant 7 : i32
          %and3A_850 = arith.andi %add3A_844, %and3A_849 : i32
          %mul3A_851 = arith.constant 16 : i32
          %mul3A_852 = arith.muli %and3A_850, %mul3A_851 : i32
          %add3A_853 = vector.broadcast %mul3A_852 : i32 to vector<16xi32>
          %add3A_854 = arith.addi %iota3A, %add3A_853 : vector<16xi32>
          %broadcast_in_dim3A_855 = arith.constant 0 : i32
          %broadcast_in_dim3A_856 = vector.broadcast %broadcast_in_dim3A_855 : i32 to vector<16xi32>
          %shift_right_arithmetic3A_857 = arith.constant 3 : i32
          %shift_right_arithmetic3A_858 = arith.shrsi %add3A_844, %shift_right_arithmetic3A_857 : i32
          %add3A_859 = vector.broadcast %shift_right_arithmetic3A_858 : i32 to vector<16xi32>
          %add3A_860 = arith.addi %broadcast_in_dim3A_856, %add3A_859 : vector<16xi32>
          %add3A_861 = arith.constant 0 : i32
          %add3A_862 = vector.broadcast %add3A_861 : i32 to vector<16xi32>
          %add3A_863 = arith.addi %and3A_681, %add3A_862 : vector<16xi32>
          %add3A_864 = arith.constant 0 : i32
          %add3A_865 = vector.broadcast %add3A_864 : i32 to vector<16xi32>
          %add3A_866 = arith.addi %shift_right_arithmetic3A_683, %add3A_865 : vector<16xi32>
          %gather3A_867 = tpu.vector_load_idx %arg7[%add3A_848, %add3A_863] : memref<512x64xf32, #tpu.memory_space<vmem>>[vector<16xi32>, vector<16xi32>], vector<16xf32>,
          tpu.vector_store_idx %arg8[%add3A_866, %add3A_860, %and3A_686, %add3A_854], %gather3A_867 : memref<8x4x8x128xf32, #tpu.memory_space<vmem>>[vector<16xi32>, vector<16xi32>, vector<16xi32>, vector<16xi32>], vector<16xf32>,
          %add3A_868 = arith.constant 16 : i32
          %add3A_869 = vector.broadcast %add3A_868 : i32 to vector<16xi32>
          %add3A_870 = arith.addi %and3A_681, %add3A_869 : vector<16xi32>
          %add3A_871 = arith.constant 2 : i32
          %add3A_872 = vector.broadcast %add3A_871 : i32 to vector<16xi32>
          %add3A_873 = arith.addi %shift_right_arithmetic3A_683, %add3A_872 : vector<16xi32>
          %gather3A_874 = tpu.vector_load_idx %arg7[%add3A_848, %add3A_870] : memref<512x64xf32, #tpu.memory_space<vmem>>[vector<16xi32>, vector<16xi32>], vector<16xf32>,
          tpu.vector_store_idx %arg8[%add3A_873, %add3A_860, %and3A_686, %add3A_854], %gather3A_874 : memref<8x4x8x128xf32, #tpu.memory_space<vmem>>[vector<16xi32>, vector<16xi32>, vector<16xi32>, vector<16xi32>], vector<16xf32>,
          %add3A_875 = arith.constant 32 : i32
          %add3A_876 = vector.broadcast %add3A_875 : i32 to vector<16xi32>
          %add3A_877 = arith.addi %and3A_681, %add3A_876 : vector<16xi32>
          %add3A_878 = arith.constant 4 : i32
          %add3A_879 = vector.broadcast %add3A_878 : i32 to vector<16xi32>
          %add3A_880 = arith.addi %shift_right_arithmetic3A_683, %add3A_879 : vector<16xi32>
          %gather3A_881 = tpu.vector_load_idx %arg7[%add3A_848, %add3A_877] : memref<512x64xf32, #tpu.memory_space<vmem>>[vector<16xi32>, vector<16xi32>], vector<16xf32>,
          tpu.vector_store_idx %arg8[%add3A_880, %add3A_860, %and3A_686, %add3A_854], %gather3A_881 : memref<8x4x8x128xf32, #tpu.memory_space<vmem>>[vector<16xi32>, vector<16xi32>, vector<16xi32>, vector<16xi32>], vector<16xf32>,
          %add3A_882 = arith.constant 48 : i32
          %add3A_883 = vector.broadcast %add3A_882 : i32 to vector<16xi32>
          %add3A_884 = arith.addi %and3A_681, %add3A_883 : vector<16xi32>
          %add3A_885 = arith.constant 6 : i32
          %add3A_886 = vector.broadcast %add3A_885 : i32 to vector<16xi32>
          %add3A_887 = arith.addi %shift_right_arithmetic3A_683, %add3A_886 : vector<16xi32>
          %gather3A_888 = tpu.vector_load_idx %arg7[%add3A_848, %add3A_884] : memref<512x64xf32, #tpu.memory_space<vmem>>[vector<16xi32>, vector<16xi32>], vector<16xf32>,
          tpu.vector_store_idx %arg8[%add3A_887, %add3A_860, %and3A_686, %add3A_854], %gather3A_888 : memref<8x4x8x128xf32, #tpu.memory_space<vmem>>[vector<16xi32>, vector<16xi32>, vector<16xi32>, vector<16xi32>], vector<16xf32>,
        }
        %scan3A_691 = arith.constant 32 : i32
      }
      %scan3A_495 = arith.constant 16 : i32
      %mul3A_496 = arith.constant 4 : i32
      %mul3A_497 = arith.muli %select_n3A_473, %mul3A_496 : i32
      %dma_start3A_498 = arith.constant 0 : i32
      %dma_start3A_499 = arith.constant 0 : i32
      %dma_start3A_500 = arith.constant 0 : i32
      %dma_start3A_501 = arith.constant 0 : i32
      %dma_start3A_502 = arith.constant 0 : i32
      %dma_start3A_503 = tpu.memref_slice %arg8[%dma_start3A_498, %dma_start3A_500, %dma_start3A_501, %dma_start3A_502] : memref<8x4x8x128xf32, #tpu.memory_space<vmem>> -> memref<1x4x8x128xf32, #tpu.memory_space<vmem>>
      %dma_start3A_504 = tpu.memref_squeeze %dma_start3A_503 : memref<1x4x8x128xf32, #tpu.memory_space<vmem>> -> memref<4x8x128xf32, #tpu.memory_space<vmem>>
      %dma_start3A_505 = arith.constant 0 : i32
      %dma_start3A_506 = arith.constant 0 : i32
      %dma_start3A_507 = tpu.memref_slice %arg4[%select_n3A_457, %dma_start3A_499, %mul3A_497, %dma_start3A_505, %dma_start3A_506] : memref<50x8x128x8x128xf32, #tpu.memory_space<hbm>> -> memref<1x1x4x8x128xf32, #tpu.memory_space<hbm>>
      %dma_start3A_508 = tpu.memref_squeeze %dma_start3A_507 : memref<1x1x4x8x128xf32, #tpu.memory_space<hbm>> -> memref<4x8x128xf32, #tpu.memory_space<hbm>>
      %dma_start3A_509 = arith.constant 0 : i32
      %dma_start3A_510 = arith.constant 0 : i32
      %dma_start3A_511 = tpu.memref_slice %arg4[%select_n3A_457, %dma_start3A_499, %mul3A_497, %dma_start3A_509, %dma_start3A_510] : memref<50x8x128x8x128xf32, #tpu.memory_space<hbm>> -> memref<1x1x4x8x128xf32, #tpu.memory_space<hbm>>
      %dma_start3A_512 = tpu.memref_squeeze %dma_start3A_511 : memref<1x1x4x8x128xf32, #tpu.memory_space<hbm>> -> memref<4x8x128xf32, #tpu.memory_space<hbm>>
      %dma_start3A_513 = arith.constant 0 : i32
      %dma_start3A_514 = arith.constant 0 : i32
      %dma_start3A_515 = arith.constant 0 : i32
      %dma_start3A_516 = tpu.memref_slice %arg8[%dma_start3A_498, %dma_start3A_513, %dma_start3A_514, %dma_start3A_515] : memref<8x4x8x128xf32, #tpu.memory_space<vmem>> -> memref<1x4x8x128xf32, #tpu.memory_space<vmem>>
      %dma_start3A_517 = tpu.memref_squeeze %dma_start3A_516 : memref<1x4x8x128xf32, #tpu.memory_space<vmem>> -> memref<4x8x128xf32, #tpu.memory_space<vmem>>
      tpu.enqueue_dma source(%dma_start3A_517 : memref<4x8x128xf32, #tpu.memory_space<vmem>>) target(%dma_start3A_512 : memref<4x8x128xf32, #tpu.memory_space<hbm>>) target_semaphore(%arg11 : memref<!tpu.dma_semaphore, #tpu.memory_space<semaphore_mem>>)
      %mul3A_518 = arith.constant 4 : i32
      %mul3A_519 = arith.muli %select_n3A_473, %mul3A_518 : i32
      %dma_start3A_520 = arith.constant 1 : i32
      %dma_start3A_521 = arith.constant 1 : i32
      %dma_start3A_522 = arith.constant 0 : i32
      %dma_start3A_523 = arith.constant 0 : i32
      %dma_start3A_524 = arith.constant 0 : i32
      %dma_start3A_525 = tpu.memref_slice %arg8[%dma_start3A_520, %dma_start3A_522, %dma_start3A_523, %dma_start3A_524] : memref<8x4x8x128xf32, #tpu.memory_space<vmem>> -> memref<1x4x8x128xf32, #tpu.memory_space<vmem>>
      %dma_start3A_526 = tpu.memref_squeeze %dma_start3A_525 : memref<1x4x8x128xf32, #tpu.memory_space<vmem>> -> memref<4x8x128xf32, #tpu.memory_space<vmem>>
      %dma_start3A_527 = arith.constant 0 : i32
      %dma_start3A_528 = arith.constant 0 : i32
      %dma_start3A_529 = tpu.memref_slice %arg4[%select_n3A_457, %dma_start3A_521, %mul3A_519, %dma_start3A_527, %dma_start3A_528] : memref<50x8x128x8x128xf32, #tpu.memory_space<hbm>> -> memref<1x1x4x8x128xf32, #tpu.memory_space<hbm>>
      %dma_start3A_530 = tpu.memref_squeeze %dma_start3A_529 : memref<1x1x4x8x128xf32, #tpu.memory_space<hbm>> -> memref<4x8x128xf32, #tpu.memory_space<hbm>>
      %dma_start3A_531 = arith.constant 0 : i32
      %dma_start3A_532 = arith.constant 0 : i32
      %dma_start3A_533 = tpu.memref_slice %arg4[%select_n3A_457, %dma_start3A_521, %mul3A_519, %dma_start3A_531, %dma_start3A_532] : memref<50x8x128x8x128xf32, #tpu.memory_space<hbm>> -> memref<1x1x4x8x128xf32, #tpu.memory_space<hbm>>
      %dma_start3A_534 = tpu.memref_squeeze %dma_start3A_533 : memref<1x1x4x8x128xf32, #tpu.memory_space<hbm>> -> memref<4x8x128xf32, #tpu.memory_space<hbm>>
      %dma_start3A_535 = arith.constant 0 : i32
      %dma_start3A_536 = arith.constant 0 : i32
      %dma_start3A_537 = arith.constant 0 : i32
      %dma_start3A_538 = tpu.memref_slice %arg8[%dma_start3A_520, %dma_start3A_535, %dma_start3A_536, %dma_start3A_537] : memref<8x4x8x128xf32, #tpu.memory_space<vmem>> -> memref<1x4x8x128xf32, #tpu.memory_space<vmem>>
      %dma_start3A_539 = tpu.memref_squeeze %dma_start3A_538 : memref<1x4x8x128xf32, #tpu.memory_space<vmem>> -> memref<4x8x128xf32, #tpu.memory_space<vmem>>
      tpu.enqueue_dma source(%dma_start3A_539 : memref<4x8x128xf32, #tpu.memory_space<vmem>>) target(%dma_start3A_534 : memref<4x8x128xf32, #tpu.memory_space<hbm>>) target_semaphore(%arg11 : memref<!tpu.dma_semaphore, #tpu.memory_space<semaphore_mem>>)
      %mul3A_540 = arith.constant 4 : i32
      %mul3A_541 = arith.muli %select_n3A_473, %mul3A_540 : i32
      %dma_start3A_542 = arith.constant 2 : i32
      %dma_start3A_543 = arith.constant 2 : i32
      %dma_start3A_544 = arith.constant 0 : i32
      %dma_start3A_545 = arith.constant 0 : i32
      %dma_start3A_546 = arith.constant 0 : i32
      %dma_start3A_547 = tpu.memref_slice %arg8[%dma_start3A_542, %dma_start3A_544, %dma_start3A_545, %dma_start3A_546] : memref<8x4x8x128xf32, #tpu.memory_space<vmem>> -> memref<1x4x8x128xf32, #tpu.memory_space<vmem>>
      %dma_start3A_548 = tpu.memref_squeeze %dma_start3A_547 : memref<1x4x8x128xf32, #tpu.memory_space<vmem>> -> memref<4x8x128xf32, #tpu.memory_space<vmem>>
      %dma_start3A_549 = arith.constant 0 : i32
      %dma_start3A_550 = arith.constant 0 : i32
      %dma_start3A_551 = tpu.memref_slice %arg4[%select_n3A_457, %dma_start3A_543, %mul3A_541, %dma_start3A_549, %dma_start3A_550] : memref<50x8x128x8x128xf32, #tpu.memory_space<hbm>> -> memref<1x1x4x8x128xf32, #tpu.memory_space<hbm>>
      %dma_start3A_552 = tpu.memref_squeeze %dma_start3A_551 : memref<1x1x4x8x128xf32, #tpu.memory_space<hbm>> -> memref<4x8x128xf32, #tpu.memory_space<hbm>>
      %dma_start3A_553 = arith.constant 0 : i32
      %dma_start3A_554 = arith.constant 0 : i32
      %dma_start3A_555 = tpu.memref_slice %arg4[%select_n3A_457, %dma_start3A_543, %mul3A_541, %dma_start3A_553, %dma_start3A_554] : memref<50x8x128x8x128xf32, #tpu.memory_space<hbm>> -> memref<1x1x4x8x128xf32, #tpu.memory_space<hbm>>
      %dma_start3A_556 = tpu.memref_squeeze %dma_start3A_555 : memref<1x1x4x8x128xf32, #tpu.memory_space<hbm>> -> memref<4x8x128xf32, #tpu.memory_space<hbm>>
      %dma_start3A_557 = arith.constant 0 : i32
      %dma_start3A_558 = arith.constant 0 : i32
      %dma_start3A_559 = arith.constant 0 : i32
      %dma_start3A_560 = tpu.memref_slice %arg8[%dma_start3A_542, %dma_start3A_557, %dma_start3A_558, %dma_start3A_559] : memref<8x4x8x128xf32, #tpu.memory_space<vmem>> -> memref<1x4x8x128xf32, #tpu.memory_space<vmem>>
      %dma_start3A_561 = tpu.memref_squeeze %dma_start3A_560 : memref<1x4x8x128xf32, #tpu.memory_space<vmem>> -> memref<4x8x128xf32, #tpu.memory_space<vmem>>
      tpu.enqueue_dma source(%dma_start3A_561 : memref<4x8x128xf32, #tpu.memory_space<vmem>>) target(%dma_start3A_556 : memref<4x8x128xf32, #tpu.memory_space<hbm>>) target_semaphore(%arg11 : memref<!tpu.dma_semaphore, #tpu.memory_space<semaphore_mem>>)
      %mul3A_562 = arith.constant 4 : i32
      %mul3A_563 = arith.muli %select_n3A_473, %mul3A_562 : i32
      %dma_start3A_564 = arith.constant 3 : i32
      %dma_start3A_565 = arith.constant 3 : i32
      %dma_start3A_566 = arith.constant 0 : i32
      %dma_start3A_567 = arith.constant 0 : i32
      %dma_start3A_568 = arith.constant 0 : i32
      %dma_start3A_569 = tpu.memref_slice %arg8[%dma_start3A_564, %dma_start3A_566, %dma_start3A_567, %dma_start3A_568] : memref<8x4x8x128xf32, #tpu.memory_space<vmem>> -> memref<1x4x8x128xf32, #tpu.memory_space<vmem>>
      %dma_start3A_570 = tpu.memref_squeeze %dma_start3A_569 : memref<1x4x8x128xf32, #tpu.memory_space<vmem>> -> memref<4x8x128xf32, #tpu.memory_space<vmem>>
      %dma_start3A_571 = arith.constant 0 : i32
      %dma_start3A_572 = arith.constant 0 : i32
      %dma_start3A_573 = tpu.memref_slice %arg4[%select_n3A_457, %dma_start3A_565, %mul3A_563, %dma_start3A_571, %dma_start3A_572] : memref<50x8x128x8x128xf32, #tpu.memory_space<hbm>> -> memref<1x1x4x8x128xf32, #tpu.memory_space<hbm>>
      %dma_start3A_574 = tpu.memref_squeeze %dma_start3A_573 : memref<1x1x4x8x128xf32, #tpu.memory_space<hbm>> -> memref<4x8x128xf32, #tpu.memory_space<hbm>>
      %dma_start3A_575 = arith.constant 0 : i32
      %dma_start3A_576 = arith.constant 0 : i32
      %dma_start3A_577 = tpu.memref_slice %arg4[%select_n3A_457, %dma_start3A_565, %mul3A_563, %dma_start3A_575, %dma_start3A_576] : memref<50x8x128x8x128xf32, #tpu.memory_space<hbm>> -> memref<1x1x4x8x128xf32, #tpu.memory_space<hbm>>
      %dma_start3A_578 = tpu.memref_squeeze %dma_start3A_577 : memref<1x1x4x8x128xf32, #tpu.memory_space<hbm>> -> memref<4x8x128xf32, #tpu.memory_space<hbm>>
      %dma_start3A_579 = arith.constant 0 : i32
      %dma_start3A_580 = arith.constant 0 : i32
      %dma_start3A_581 = arith.constant 0 : i32
      %dma_start3A_582 = tpu.memref_slice %arg8[%dma_start3A_564, %dma_start3A_579, %dma_start3A_580, %dma_start3A_581] : memref<8x4x8x128xf32, #tpu.memory_space<vmem>> -> memref<1x4x8x128xf32, #tpu.memory_space<vmem>>
      %dma_start3A_583 = tpu.memref_squeeze %dma_start3A_582 : memref<1x4x8x128xf32, #tpu.memory_space<vmem>> -> memref<4x8x128xf32, #tpu.memory_space<vmem>>
      tpu.enqueue_dma source(%dma_start3A_583 : memref<4x8x128xf32, #tpu.memory_space<vmem>>) target(%dma_start3A_578 : memref<4x8x128xf32, #tpu.memory_space<hbm>>) target_semaphore(%arg11 : memref<!tpu.dma_semaphore, #tpu.memory_space<semaphore_mem>>)
      %mul3A_584 = arith.constant 4 : i32
      %mul3A_585 = arith.muli %select_n3A_473, %mul3A_584 : i32
      %dma_start3A_586 = arith.constant 4 : i32
      %dma_start3A_587 = arith.constant 4 : i32
      %dma_start3A_588 = arith.constant 0 : i32
      %dma_start3A_589 = arith.constant 0 : i32
      %dma_start3A_590 = arith.constant 0 : i32
      %dma_start3A_591 = tpu.memref_slice %arg8[%dma_start3A_586, %dma_start3A_588, %dma_start3A_589, %dma_start3A_590] : memref<8x4x8x128xf32, #tpu.memory_space<vmem>> -> memref<1x4x8x128xf32, #tpu.memory_space<vmem>>
      %dma_start3A_592 = tpu.memref_squeeze %dma_start3A_591 : memref<1x4x8x128xf32, #tpu.memory_space<vmem>> -> memref<4x8x128xf32, #tpu.memory_space<vmem>>
      %dma_start3A_593 = arith.constant 0 : i32
      %dma_start3A_594 = arith.constant 0 : i32
      %dma_start3A_595 = tpu.memref_slice %arg4[%select_n3A_457, %dma_start3A_587, %mul3A_585, %dma_start3A_593, %dma_start3A_594] : memref<50x8x128x8x128xf32, #tpu.memory_space<hbm>> -> memref<1x1x4x8x128xf32, #tpu.memory_space<hbm>>
      %dma_start3A_596 = tpu.memref_squeeze %dma_start3A_595 : memref<1x1x4x8x128xf32, #tpu.memory_space<hbm>> -> memref<4x8x128xf32, #tpu.memory_space<hbm>>
      %dma_start3A_597 = arith.constant 0 : i32
      %dma_start3A_598 = arith.constant 0 : i32
      %dma_start3A_599 = tpu.memref_slice %arg4[%select_n3A_457, %dma_start3A_587, %mul3A_585, %dma_start3A_597, %dma_start3A_598] : memref<50x8x128x8x128xf32, #tpu.memory_space<hbm>> -> memref<1x1x4x8x128xf32, #tpu.memory_space<hbm>>
      %dma_start3A_600 = tpu.memref_squeeze %dma_start3A_599 : memref<1x1x4x8x128xf32, #tpu.memory_space<hbm>> -> memref<4x8x128xf32, #tpu.memory_space<hbm>>
      %dma_start3A_601 = arith.constant 0 : i32
      %dma_start3A_602 = arith.constant 0 : i32
      %dma_start3A_603 = arith.constant 0 : i32
      %dma_start3A_604 = tpu.memref_slice %arg8[%dma_start3A_586, %dma_start3A_601, %dma_start3A_602, %dma_start3A_603] : memref<8x4x8x128xf32, #tpu.memory_space<vmem>> -> memref<1x4x8x128xf32, #tpu.memory_space<vmem>>
      %dma_start3A_605 = tpu.memref_squeeze %dma_start3A_604 : memref<1x4x8x128xf32, #tpu.memory_space<vmem>> -> memref<4x8x128xf32, #tpu.memory_space<vmem>>
      tpu.enqueue_dma source(%dma_start3A_605 : memref<4x8x128xf32, #tpu.memory_space<vmem>>) target(%dma_start3A_600 : memref<4x8x128xf32, #tpu.memory_space<hbm>>) target_semaphore(%arg11 : memref<!tpu.dma_semaphore, #tpu.memory_space<semaphore_mem>>)
      %mul3A_606 = arith.constant 4 : i32
      %mul3A_607 = arith.muli %select_n3A_473, %mul3A_606 : i32
      %dma_start3A_608 = arith.constant 5 : i32
      %dma_start3A_609 = arith.constant 5 : i32
      %dma_start3A_610 = arith.constant 0 : i32
      %dma_start3A_611 = arith.constant 0 : i32
      %dma_start3A_612 = arith.constant 0 : i32
      %dma_start3A_613 = tpu.memref_slice %arg8[%dma_start3A_608, %dma_start3A_610, %dma_start3A_611, %dma_start3A_612] : memref<8x4x8x128xf32, #tpu.memory_space<vmem>> -> memref<1x4x8x128xf32, #tpu.memory_space<vmem>>
      %dma_start3A_614 = tpu.memref_squeeze %dma_start3A_613 : memref<1x4x8x128xf32, #tpu.memory_space<vmem>> -> memref<4x8x128xf32, #tpu.memory_space<vmem>>
      %dma_start3A_615 = arith.constant 0 : i32
      %dma_start3A_616 = arith.constant 0 : i32
      %dma_start3A_617 = tpu.memref_slice %arg4[%select_n3A_457, %dma_start3A_609, %mul3A_607, %dma_start3A_615, %dma_start3A_616] : memref<50x8x128x8x128xf32, #tpu.memory_space<hbm>> -> memref<1x1x4x8x128xf32, #tpu.memory_space<hbm>>
      %dma_start3A_618 = tpu.memref_squeeze %dma_start3A_617 : memref<1x1x4x8x128xf32, #tpu.memory_space<hbm>> -> memref<4x8x128xf32, #tpu.memory_space<hbm>>
      %dma_start3A_619 = arith.constant 0 : i32
      %dma_start3A_620 = arith.constant 0 : i32
      %dma_start3A_621 = tpu.memref_slice %arg4[%select_n3A_457, %dma_start3A_609, %mul3A_607, %dma_start3A_619, %dma_start3A_620] : memref<50x8x128x8x128xf32, #tpu.memory_space<hbm>> -> memref<1x1x4x8x128xf32, #tpu.memory_space<hbm>>
      %dma_start3A_622 = tpu.memref_squeeze %dma_start3A_621 : memref<1x1x4x8x128xf32, #tpu.memory_space<hbm>> -> memref<4x8x128xf32, #tpu.memory_space<hbm>>
      %dma_start3A_623 = arith.constant 0 : i32
      %dma_start3A_624 = arith.constant 0 : i32
      %dma_start3A_625 = arith.constant 0 : i32
      %dma_start3A_626 = tpu.memref_slice %arg8[%dma_start3A_608, %dma_start3A_623, %dma_start3A_624, %dma_start3A_625] : memref<8x4x8x128xf32, #tpu.memory_space<vmem>> -> memref<1x4x8x128xf32, #tpu.memory_space<vmem>>
      %dma_start3A_627 = tpu.memref_squeeze %dma_start3A_626 : memref<1x4x8x128xf32, #tpu.memory_space<vmem>> -> memref<4x8x128xf32, #tpu.memory_space<vmem>>
      tpu.enqueue_dma source(%dma_start3A_627 : memref<4x8x128xf32, #tpu.memory_space<vmem>>) target(%dma_start3A_622 : memref<4x8x128xf32, #tpu.memory_space<hbm>>) target_semaphore(%arg11 : memref<!tpu.dma_semaphore, #tpu.memory_space<semaphore_mem>>)
      %mul3A_628 = arith.constant 4 : i32
      %mul3A_629 = arith.muli %select_n3A_473, %mul3A_628 : i32
      %dma_start3A_630 = arith.constant 6 : i32
      %dma_start3A_631 = arith.constant 6 : i32
      %dma_start3A_632 = arith.constant 0 : i32
      %dma_start3A_633 = arith.constant 0 : i32
      %dma_start3A_634 = arith.constant 0 : i32
      %dma_start3A_635 = tpu.memref_slice %arg8[%dma_start3A_630, %dma_start3A_632, %dma_start3A_633, %dma_start3A_634] : memref<8x4x8x128xf32, #tpu.memory_space<vmem>> -> memref<1x4x8x128xf32, #tpu.memory_space<vmem>>
      %dma_start3A_636 = tpu.memref_squeeze %dma_start3A_635 : memref<1x4x8x128xf32, #tpu.memory_space<vmem>> -> memref<4x8x128xf32, #tpu.memory_space<vmem>>
      %dma_start3A_637 = arith.constant 0 : i32
      %dma_start3A_638 = arith.constant 0 : i32
      %dma_start3A_639 = tpu.memref_slice %arg4[%select_n3A_457, %dma_start3A_631, %mul3A_629, %dma_start3A_637, %dma_start3A_638] : memref<50x8x128x8x128xf32, #tpu.memory_space<hbm>> -> memref<1x1x4x8x128xf32, #tpu.memory_space<hbm>>
      %dma_start3A_640 = tpu.memref_squeeze %dma_start3A_639 : memref<1x1x4x8x128xf32, #tpu.memory_space<hbm>> -> memref<4x8x128xf32, #tpu.memory_space<hbm>>
      %dma_start3A_641 = arith.constant 0 : i32
      %dma_start3A_642 = arith.constant 0 : i32
      %dma_start3A_643 = tpu.memref_slice %arg4[%select_n3A_457, %dma_start3A_631, %mul3A_629, %dma_start3A_641, %dma_start3A_642] : memref<50x8x128x8x128xf32, #tpu.memory_space<hbm>> -> memref<1x1x4x8x128xf32, #tpu.memory_space<hbm>>
      %dma_start3A_644 = tpu.memref_squeeze %dma_start3A_643 : memref<1x1x4x8x128xf32, #tpu.memory_space<hbm>> -> memref<4x8x128xf32, #tpu.memory_space<hbm>>
      %dma_start3A_645 = arith.constant 0 : i32
      %dma_start3A_646 = arith.constant 0 : i32
      %dma_start3A_647 = arith.constant 0 : i32
      %dma_start3A_648 = tpu.memref_slice %arg8[%dma_start3A_630, %dma_start3A_645, %dma_start3A_646, %dma_start3A_647] : memref<8x4x8x128xf32, #tpu.memory_space<vmem>> -> memref<1x4x8x128xf32, #tpu.memory_space<vmem>>
      %dma_start3A_649 = tpu.memref_squeeze %dma_start3A_648 : memref<1x4x8x128xf32, #tpu.memory_space<vmem>> -> memref<4x8x128xf32, #tpu.memory_space<vmem>>
      tpu.enqueue_dma source(%dma_start3A_649 : memref<4x8x128xf32, #tpu.memory_space<vmem>>) target(%dma_start3A_644 : memref<4x8x128xf32, #tpu.memory_space<hbm>>) target_semaphore(%arg11 : memref<!tpu.dma_semaphore, #tpu.memory_space<semaphore_mem>>)
      %mul3A_650 = arith.constant 4 : i32
      %mul3A_651 = arith.muli %select_n3A_473, %mul3A_650 : i32
      %dma_start3A_652 = arith.constant 7 : i32
      %dma_start3A_653 = arith.constant 7 : i32
      %dma_start3A_654 = arith.constant 0 : i32
      %dma_start3A_655 = arith.constant 0 : i32
      %dma_start3A_656 = arith.constant 0 : i32
      %dma_start3A_657 = tpu.memref_slice %arg8[%dma_start3A_652, %dma_start3A_654, %dma_start3A_655, %dma_start3A_656] : memref<8x4x8x128xf32, #tpu.memory_space<vmem>> -> memref<1x4x8x128xf32, #tpu.memory_space<vmem>>
      %dma_start3A_658 = tpu.memref_squeeze %dma_start3A_657 : memref<1x4x8x128xf32, #tpu.memory_space<vmem>> -> memref<4x8x128xf32, #tpu.memory_space<vmem>>
      %dma_start3A_659 = arith.constant 0 : i32
      %dma_start3A_660 = arith.constant 0 : i32
      %dma_start3A_661 = tpu.memref_slice %arg4[%select_n3A_457, %dma_start3A_653, %mul3A_651, %dma_start3A_659, %dma_start3A_660] : memref<50x8x128x8x128xf32, #tpu.memory_space<hbm>> -> memref<1x1x4x8x128xf32, #tpu.memory_space<hbm>>
      %dma_start3A_662 = tpu.memref_squeeze %dma_start3A_661 : memref<1x1x4x8x128xf32, #tpu.memory_space<hbm>> -> memref<4x8x128xf32, #tpu.memory_space<hbm>>
      %dma_start3A_663 = arith.constant 0 : i32
      %dma_start3A_664 = arith.constant 0 : i32
      %dma_start3A_665 = tpu.memref_slice %arg4[%select_n3A_457, %dma_start3A_653, %mul3A_651, %dma_start3A_663, %dma_start3A_664] : memref<50x8x128x8x128xf32, #tpu.memory_space<hbm>> -> memref<1x1x4x8x128xf32, #tpu.memory_space<hbm>>
      %dma_start3A_666 = tpu.memref_squeeze %dma_start3A_665 : memref<1x1x4x8x128xf32, #tpu.memory_space<hbm>> -> memref<4x8x128xf32, #tpu.memory_space<hbm>>
      %dma_start3A_667 = arith.constant 0 : i32
      %dma_start3A_668 = arith.constant 0 : i32
      %dma_start3A_669 = arith.constant 0 : i32
      %dma_start3A_670 = tpu.memref_slice %arg8[%dma_start3A_652, %dma_start3A_667, %dma_start3A_668, %dma_start3A_669] : memref<8x4x8x128xf32, #tpu.memory_space<vmem>> -> memref<1x4x8x128xf32, #tpu.memory_space<vmem>>
      %dma_start3A_671 = tpu.memref_squeeze %dma_start3A_670 : memref<1x4x8x128xf32, #tpu.memory_space<vmem>> -> memref<4x8x128xf32, #tpu.memory_space<vmem>>
      tpu.enqueue_dma source(%dma_start3A_671 : memref<4x8x128xf32, #tpu.memory_space<vmem>>) target(%dma_start3A_666 : memref<4x8x128xf32, #tpu.memory_space<hbm>>) target_semaphore(%arg11 : memref<!tpu.dma_semaphore, #tpu.memory_space<semaphore_mem>>)
    }
    %scan3A_10 = arith.constant 25 : i32
    %dma_wait3A = arith.constant 0 : i32
    %dma_wait3A_11 = arith.constant 0 : i32
    %dma_wait3A_12 = arith.constant 0 : i32
    %dma_wait3A_13 = arith.constant 0 : i32
    %dma_wait3A_14 = arith.constant 0 : i32
    %dma_wait3A_15 = arith.constant 0 : i32
    %dma_wait3A_16 = tpu.memref_slice %arg8[%dma_wait3A, %dma_wait3A_13, %dma_wait3A_14, %dma_wait3A_15] : memref<8x4x8x128xf32, #tpu.memory_space<vmem>> -> memref<1x4x8x128xf32, #tpu.memory_space<vmem>>
    %dma_wait3A_17 = tpu.memref_squeeze %dma_wait3A_16 : memref<1x4x8x128xf32, #tpu.memory_space<vmem>> -> memref<4x8x128xf32, #tpu.memory_space<vmem>>
    %dma_wait3A_18 = arith.constant 0 : i32
    %dma_wait3A_19 = arith.constant 0 : i32
    %dma_wait3A_20 = arith.constant 0 : i32
    %dma_wait3A_21 = tpu.memref_slice %arg4[%dma_wait3A_11, %dma_wait3A_12, %dma_wait3A_18, %dma_wait3A_19, %dma_wait3A_20] : memref<50x8x128x8x128xf32, #tpu.memory_space<hbm>> -> memref<1x1x4x8x128xf32, #tpu.memory_space<hbm>>
    %dma_wait3A_22 = tpu.memref_squeeze %dma_wait3A_21 : memref<1x1x4x8x128xf32, #tpu.memory_space<hbm>> -> memref<4x8x128xf32, #tpu.memory_space<hbm>>
    %dma_wait3A_23 = arith.constant 0 : i32
    %dma_wait3A_24 = arith.constant 0 : i32
    %dma_wait3A_25 = arith.constant 0 : i32
    %dma_wait3A_26 = tpu.memref_slice %arg4[%dma_wait3A_11, %dma_wait3A_12, %dma_wait3A_23, %dma_wait3A_24, %dma_wait3A_25] : memref<50x8x128x8x128xf32, #tpu.memory_space<hbm>> -> memref<1x1x4x8x128xf32, #tpu.memory_space<hbm>>
    %dma_wait3A_27 = tpu.memref_squeeze %dma_wait3A_26 : memref<1x1x4x8x128xf32, #tpu.memory_space<hbm>> -> memref<4x8x128xf32, #tpu.memory_space<hbm>>
    %dma_wait3A_28 = arith.constant 0 : i32
    %dma_wait3A_29 = arith.constant 0 : i32
    %dma_wait3A_30 = arith.constant 0 : i32
    %dma_wait3A_31 = tpu.memref_slice %arg8[%dma_wait3A, %dma_wait3A_28, %dma_wait3A_29, %dma_wait3A_30] : memref<8x4x8x128xf32, #tpu.memory_space<vmem>> -> memref<1x4x8x128xf32, #tpu.memory_space<vmem>>
    %dma_wait3A_32 = tpu.memref_squeeze %dma_wait3A_31 : memref<1x4x8x128xf32, #tpu.memory_space<vmem>> -> memref<4x8x128xf32, #tpu.memory_space<vmem>>
    tpu.wait_dma2 semaphore(%arg11 : memref<!tpu.dma_semaphore, #tpu.memory_space<semaphore_mem>>) src(%dma_wait3A_32 : memref<4x8x128xf32, #tpu.memory_space<vmem>>) dst(%dma_wait3A_27 : memref<4x8x128xf32, #tpu.memory_space<hbm>>)
    %dma_wait3A_33 = arith.constant 0 : i32
    %dma_wait3A_34 = arith.constant 0 : i32
    %dma_wait3A_35 = arith.constant 0 : i32
    %dma_wait3A_36 = arith.constant 0 : i32
    %dma_wait3A_37 = arith.constant 0 : i32
    %dma_wait3A_38 = arith.constant 0 : i32
    %dma_wait3A_39 = tpu.memref_slice %arg8[%dma_wait3A_33, %dma_wait3A_36, %dma_wait3A_37, %dma_wait3A_38] : memref<8x4x8x128xf32, #tpu.memory_space<vmem>> -> memref<1x4x8x128xf32, #tpu.memory_space<vmem>>
    %dma_wait3A_40 = tpu.memref_squeeze %dma_wait3A_39 : memref<1x4x8x128xf32, #tpu.memory_space<vmem>> -> memref<4x8x128xf32, #tpu.memory_space<vmem>>
    %dma_wait3A_41 = arith.constant 0 : i32
    %dma_wait3A_42 = arith.constant 0 : i32
    %dma_wait3A_43 = arith.constant 0 : i32
    %dma_wait3A_44 = tpu.memref_slice %arg4[%dma_wait3A_34, %dma_wait3A_35, %dma_wait3A_41, %dma_wait3A_42, %dma_wait3A_43] : memref<50x8x128x8x128xf32, #tpu.memory_space<hbm>> -> memref<1x1x4x8x128xf32, #tpu.memory_space<hbm>>
    %dma_wait3A_45 = tpu.memref_squeeze %dma_wait3A_44 : memref<1x1x4x8x128xf32, #tpu.memory_space<hbm>> -> memref<4x8x128xf32, #tpu.memory_space<hbm>>
    %dma_wait3A_46 = arith.constant 0 : i32
    %dma_wait3A_47 = arith.constant 0 : i32
    %dma_wait3A_48 = arith.constant 0 : i32
    %dma_wait3A_49 = tpu.memref_slice %arg4[%dma_wait3A_34, %dma_wait3A_35, %dma_wait3A_46, %dma_wait3A_47, %dma_wait3A_48] : memref<50x8x128x8x128xf32, #tpu.memory_space<hbm>> -> memref<1x1x4x8x128xf32, #tpu.memory_space<hbm>>
    %dma_wait3A_50 = tpu.memref_squeeze %dma_wait3A_49 : memref<1x1x4x8x128xf32, #tpu.memory_space<hbm>> -> memref<4x8x128xf32, #tpu.memory_space<hbm>>
    %dma_wait3A_51 = arith.constant 0 : i32
    %dma_wait3A_52 = arith.constant 0 : i32
    %dma_wait3A_53 = arith.constant 0 : i32
    %dma_wait3A_54 = tpu.memref_slice %arg8[%dma_wait3A_33, %dma_wait3A_51, %dma_wait3A_52, %dma_wait3A_53] : memref<8x4x8x128xf32, #tpu.memory_space<vmem>> -> memref<1x4x8x128xf32, #tpu.memory_space<vmem>>
    %dma_wait3A_55 = tpu.memref_squeeze %dma_wait3A_54 : memref<1x4x8x128xf32, #tpu.memory_space<vmem>> -> memref<4x8x128xf32, #tpu.memory_space<vmem>>
    tpu.wait_dma2 semaphore(%arg11 : memref<!tpu.dma_semaphore, #tpu.memory_space<semaphore_mem>>) src(%dma_wait3A_55 : memref<4x8x128xf32, #tpu.memory_space<vmem>>) dst(%dma_wait3A_50 : memref<4x8x128xf32, #tpu.memory_space<hbm>>)
    %dma_wait3A_56 = arith.constant 0 : i32
    %dma_wait3A_57 = arith.constant 0 : i32
    %dma_wait3A_58 = arith.constant 0 : i32
    %dma_wait3A_59 = arith.constant 0 : i32
    %dma_wait3A_60 = arith.constant 0 : i32
    %dma_wait3A_61 = arith.constant 0 : i32
    %dma_wait3A_62 = tpu.memref_slice %arg8[%dma_wait3A_56, %dma_wait3A_59, %dma_wait3A_60, %dma_wait3A_61] : memref<8x4x8x128xf32, #tpu.memory_space<vmem>> -> memref<1x4x8x128xf32, #tpu.memory_space<vmem>>
    %dma_wait3A_63 = tpu.memref_squeeze %dma_wait3A_62 : memref<1x4x8x128xf32, #tpu.memory_space<vmem>> -> memref<4x8x128xf32, #tpu.memory_space<vmem>>
    %dma_wait3A_64 = arith.constant 0 : i32
    %dma_wait3A_65 = arith.constant 0 : i32
    %dma_wait3A_66 = arith.constant 0 : i32
    %dma_wait3A_67 = tpu.memref_slice %arg4[%dma_wait3A_57, %dma_wait3A_58, %dma_wait3A_64, %dma_wait3A_65, %dma_wait3A_66] : memref<50x8x128x8x128xf32, #tpu.memory_space<hbm>> -> memref<1x1x4x8x128xf32, #tpu.memory_space<hbm>>
    %dma_wait3A_68 = tpu.memref_squeeze %dma_wait3A_67 : memref<1x1x4x8x128xf32, #tpu.memory_space<hbm>> -> memref<4x8x128xf32, #tpu.memory_space<hbm>>
    %dma_wait3A_69 = arith.constant 0 : i32
    %dma_wait3A_70 = arith.constant 0 : i32
    %dma_wait3A_71 = arith.constant 0 : i32
    %dma_wait3A_72 = tpu.memref_slice %arg4[%dma_wait3A_57, %dma_wait3A_58, %dma_wait3A_69, %dma_wait3A_70, %dma_wait3A_71] : memref<50x8x128x8x128xf32, #tpu.memory_space<hbm>> -> memref<1x1x4x8x128xf32, #tpu.memory_space<hbm>>
    %dma_wait3A_73 = tpu.memref_squeeze %dma_wait3A_72 : memref<1x1x4x8x128xf32, #tpu.memory_space<hbm>> -> memref<4x8x128xf32, #tpu.memory_space<hbm>>
    %dma_wait3A_74 = arith.constant 0 : i32
    %dma_wait3A_75 = arith.constant 0 : i32
    %dma_wait3A_76 = arith.constant 0 : i32
    %dma_wait3A_77 = tpu.memref_slice %arg8[%dma_wait3A_56, %dma_wait3A_74, %dma_wait3A_75, %dma_wait3A_76] : memref<8x4x8x128xf32, #tpu.memory_space<vmem>> -> memref<1x4x8x128xf32, #tpu.memory_space<vmem>>
    %dma_wait3A_78 = tpu.memref_squeeze %dma_wait3A_77 : memref<1x4x8x128xf32, #tpu.memory_space<vmem>> -> memref<4x8x128xf32, #tpu.memory_space<vmem>>
    tpu.wait_dma2 semaphore(%arg11 : memref<!tpu.dma_semaphore, #tpu.memory_space<semaphore_mem>>) src(%dma_wait3A_78 : memref<4x8x128xf32, #tpu.memory_space<vmem>>) dst(%dma_wait3A_73 : memref<4x8x128xf32, #tpu.memory_space<hbm>>)
    %dma_wait3A_79 = arith.constant 0 : i32
    %dma_wait3A_80 = arith.constant 0 : i32
    %dma_wait3A_81 = arith.constant 0 : i32
    %dma_wait3A_82 = arith.constant 0 : i32
    %dma_wait3A_83 = arith.constant 0 : i32
    %dma_wait3A_84 = arith.constant 0 : i32
    %dma_wait3A_85 = tpu.memref_slice %arg8[%dma_wait3A_79, %dma_wait3A_82, %dma_wait3A_83, %dma_wait3A_84] : memref<8x4x8x128xf32, #tpu.memory_space<vmem>> -> memref<1x4x8x128xf32, #tpu.memory_space<vmem>>
    %dma_wait3A_86 = tpu.memref_squeeze %dma_wait3A_85 : memref<1x4x8x128xf32, #tpu.memory_space<vmem>> -> memref<4x8x128xf32, #tpu.memory_space<vmem>>
    %dma_wait3A_87 = arith.constant 0 : i32
    %dma_wait3A_88 = arith.constant 0 : i32
    %dma_wait3A_89 = arith.constant 0 : i32
    %dma_wait3A_90 = tpu.memref_slice %arg4[%dma_wait3A_80, %dma_wait3A_81, %dma_wait3A_87, %dma_wait3A_88, %dma_wait3A_89] : memref<50x8x128x8x128xf32, #tpu.memory_space<hbm>> -> memref<1x1x4x8x128xf32, #tpu.memory_space<hbm>>
    %dma_wait3A_91 = tpu.memref_squeeze %dma_wait3A_90 : memref<1x1x4x8x128xf32, #tpu.memory_space<hbm>> -> memref<4x8x128xf32, #tpu.memory_space<hbm>>
    %dma_wait3A_92 = arith.constant 0 : i32
    %dma_wait3A_93 = arith.constant 0 : i32
    %dma_wait3A_94 = arith.constant 0 : i32
    %dma_wait3A_95 = tpu.memref_slice %arg4[%dma_wait3A_80, %dma_wait3A_81, %dma_wait3A_92, %dma_wait3A_93, %dma_wait3A_94] : memref<50x8x128x8x128xf32, #tpu.memory_space<hbm>> -> memref<1x1x4x8x128xf32, #tpu.memory_space<hbm>>
    %dma_wait3A_96 = tpu.memref_squeeze %dma_wait3A_95 : memref<1x1x4x8x128xf32, #tpu.memory_space<hbm>> -> memref<4x8x128xf32, #tpu.memory_space<hbm>>
    %dma_wait3A_97 = arith.constant 0 : i32
    %dma_wait3A_98 = arith.constant 0 : i32
    %dma_wait3A_99 = arith.constant 0 : i32
    %dma_wait3A_100 = tpu.memref_slice %arg8[%dma_wait3A_79, %dma_wait3A_97, %dma_wait3A_98, %dma_wait3A_99] : memref<8x4x8x128xf32, #tpu.memory_space<vmem>> -> memref<1x4x8x128xf32, #tpu.memory_space<vmem>>
    %dma_wait3A_101 = tpu.memref_squeeze %dma_wait3A_100 : memref<1x4x8x128xf32, #tpu.memory_space<vmem>> -> memref<4x8x128xf32, #tpu.memory_space<vmem>>
    tpu.wait_dma2 semaphore(%arg11 : memref<!tpu.dma_semaphore, #tpu.memory_space<semaphore_mem>>) src(%dma_wait3A_101 : memref<4x8x128xf32, #tpu.memory_space<vmem>>) dst(%dma_wait3A_96 : memref<4x8x128xf32, #tpu.memory_space<hbm>>)
    %dma_wait3A_102 = arith.constant 0 : i32
    %dma_wait3A_103 = arith.constant 0 : i32
    %dma_wait3A_104 = arith.constant 0 : i32
    %dma_wait3A_105 = arith.constant 0 : i32
    %dma_wait3A_106 = arith.constant 0 : i32
    %dma_wait3A_107 = arith.constant 0 : i32
    %dma_wait3A_108 = tpu.memref_slice %arg8[%dma_wait3A_102, %dma_wait3A_105, %dma_wait3A_106, %dma_wait3A_107] : memref<8x4x8x128xf32, #tpu.memory_space<vmem>> -> memref<1x4x8x128xf32, #tpu.memory_space<vmem>>
    %dma_wait3A_109 = tpu.memref_squeeze %dma_wait3A_108 : memref<1x4x8x128xf32, #tpu.memory_space<vmem>> -> memref<4x8x128xf32, #tpu.memory_space<vmem>>
    %dma_wait3A_110 = arith.constant 0 : i32
    %dma_wait3A_111 = arith.constant 0 : i32
    %dma_wait3A_112 = arith.constant 0 : i32
    %dma_wait3A_113 = tpu.memref_slice %arg4[%dma_wait3A_103, %dma_wait3A_104, %dma_wait3A_110, %dma_wait3A_111, %dma_wait3A_112] : memref<50x8x128x8x128xf32, #tpu.memory_space<hbm>> -> memref<1x1x4x8x128xf32, #tpu.memory_space<hbm>>
    %dma_wait3A_114 = tpu.memref_squeeze %dma_wait3A_113 : memref<1x1x4x8x128xf32, #tpu.memory_space<hbm>> -> memref<4x8x128xf32, #tpu.memory_space<hbm>>
    %dma_wait3A_115 = arith.constant 0 : i32
    %dma_wait3A_116 = arith.constant 0 : i32
    %dma_wait3A_117 = arith.constant 0 : i32
    %dma_wait3A_118 = tpu.memref_slice %arg4[%dma_wait3A_103, %dma_wait3A_104, %dma_wait3A_115, %dma_wait3A_116, %dma_wait3A_117] : memref<50x8x128x8x128xf32, #tpu.memory_space<hbm>> -> memref<1x1x4x8x128xf32, #tpu.memory_space<hbm>>
    %dma_wait3A_119 = tpu.memref_squeeze %dma_wait3A_118 : memref<1x1x4x8x128xf32, #tpu.memory_space<hbm>> -> memref<4x8x128xf32, #tpu.memory_space<hbm>>
    %dma_wait3A_120 = arith.constant 0 : i32
    %dma_wait3A_121 = arith.constant 0 : i32
    %dma_wait3A_122 = arith.constant 0 : i32
    %dma_wait3A_123 = tpu.memref_slice %arg8[%dma_wait3A_102, %dma_wait3A_120, %dma_wait3A_121, %dma_wait3A_122] : memref<8x4x8x128xf32, #tpu.memory_space<vmem>> -> memref<1x4x8x128xf32, #tpu.memory_space<vmem>>
    %dma_wait3A_124 = tpu.memref_squeeze %dma_wait3A_123 : memref<1x4x8x128xf32, #tpu.memory_space<vmem>> -> memref<4x8x128xf32, #tpu.memory_space<vmem>>
    tpu.wait_dma2 semaphore(%arg11 : memref<!tpu.dma_semaphore, #tpu.memory_space<semaphore_mem>>) src(%dma_wait3A_124 : memref<4x8x128xf32, #tpu.memory_space<vmem>>) dst(%dma_wait3A_119 : memref<4x8x128xf32, #tpu.memory_space<hbm>>)
    %dma_wait3A_125 = arith.constant 0 : i32
    %dma_wait3A_126 = arith.constant 0 : i32
    %dma_wait3A_127 = arith.constant 0 : i32
    %dma_wait3A_128 = arith.constant 0 : i32
    %dma_wait3A_129 = arith.constant 0 : i32
    %dma_wait3A_130 = arith.constant 0 : i32
    %dma_wait3A_131 = tpu.memref_slice %arg8[%dma_wait3A_125, %dma_wait3A_128, %dma_wait3A_129, %dma_wait3A_130] : memref<8x4x8x128xf32, #tpu.memory_space<vmem>> -> memref<1x4x8x128xf32, #tpu.memory_space<vmem>>
    %dma_wait3A_132 = tpu.memref_squeeze %dma_wait3A_131 : memref<1x4x8x128xf32, #tpu.memory_space<vmem>> -> memref<4x8x128xf32, #tpu.memory_space<vmem>>
    %dma_wait3A_133 = arith.constant 0 : i32
    %dma_wait3A_134 = arith.constant 0 : i32
    %dma_wait3A_135 = arith.constant 0 : i32
    %dma_wait3A_136 = tpu.memref_slice %arg4[%dma_wait3A_126, %dma_wait3A_127, %dma_wait3A_133, %dma_wait3A_134, %dma_wait3A_135] : memref<50x8x128x8x128xf32, #tpu.memory_space<hbm>> -> memref<1x1x4x8x128xf32, #tpu.memory_space<hbm>>
    %dma_wait3A_137 = tpu.memref_squeeze %dma_wait3A_136 : memref<1x1x4x8x128xf32, #tpu.memory_space<hbm>> -> memref<4x8x128xf32, #tpu.memory_space<hbm>>
    %dma_wait3A_138 = arith.constant 0 : i32
    %dma_wait3A_139 = arith.constant 0 : i32
    %dma_wait3A_140 = arith.constant 0 : i32
    %dma_wait3A_141 = tpu.memref_slice %arg4[%dma_wait3A_126, %dma_wait3A_127, %dma_wait3A_138, %dma_wait3A_139, %dma_wait3A_140] : memref<50x8x128x8x128xf32, #tpu.memory_space<hbm>> -> memref<1x1x4x8x128xf32, #tpu.memory_space<hbm>>
    %dma_wait3A_142 = tpu.memref_squeeze %dma_wait3A_141 : memref<1x1x4x8x128xf32, #tpu.memory_space<hbm>> -> memref<4x8x128xf32, #tpu.memory_space<hbm>>
    %dma_wait3A_143 = arith.constant 0 : i32
    %dma_wait3A_144 = arith.constant 0 : i32
    %dma_wait3A_145 = arith.constant 0 : i32
    %dma_wait3A_146 = tpu.memref_slice %arg8[%dma_wait3A_125, %dma_wait3A_143, %dma_wait3A_144, %dma_wait3A_145] : memref<8x4x8x128xf32, #tpu.memory_space<vmem>> -> memref<1x4x8x128xf32, #tpu.memory_space<vmem>>
    %dma_wait3A_147 = tpu.memref_squeeze %dma_wait3A_146 : memref<1x4x8x128xf32, #tpu.memory_space<vmem>> -> memref<4x8x128xf32, #tpu.memory_space<vmem>>
    tpu.wait_dma2 semaphore(%arg11 : memref<!tpu.dma_semaphore, #tpu.memory_space<semaphore_mem>>) src(%dma_wait3A_147 : memref<4x8x128xf32, #tpu.memory_space<vmem>>) dst(%dma_wait3A_142 : memref<4x8x128xf32, #tpu.memory_space<hbm>>)
    %dma_wait3A_148 = arith.constant 0 : i32
    %dma_wait3A_149 = arith.constant 0 : i32
    %dma_wait3A_150 = arith.constant 0 : i32
    %dma_wait3A_151 = arith.constant 0 : i32
    %dma_wait3A_152 = arith.constant 0 : i32
    %dma_wait3A_153 = arith.constant 0 : i32
    %dma_wait3A_154 = tpu.memref_slice %arg8[%dma_wait3A_148, %dma_wait3A_151, %dma_wait3A_152, %dma_wait3A_153] : memref<8x4x8x128xf32, #tpu.memory_space<vmem>> -> memref<1x4x8x128xf32, #tpu.memory_space<vmem>>
    %dma_wait3A_155 = tpu.memref_squeeze %dma_wait3A_154 : memref<1x4x8x128xf32, #tpu.memory_space<vmem>> -> memref<4x8x128xf32, #tpu.memory_space<vmem>>
    %dma_wait3A_156 = arith.constant 0 : i32
    %dma_wait3A_157 = arith.constant 0 : i32
    %dma_wait3A_158 = arith.constant 0 : i32
    %dma_wait3A_159 = tpu.memref_slice %arg4[%dma_wait3A_149, %dma_wait3A_150, %dma_wait3A_156, %dma_wait3A_157, %dma_wait3A_158] : memref<50x8x128x8x128xf32, #tpu.memory_space<hbm>> -> memref<1x1x4x8x128xf32, #tpu.memory_space<hbm>>
    %dma_wait3A_160 = tpu.memref_squeeze %dma_wait3A_159 : memref<1x1x4x8x128xf32, #tpu.memory_space<hbm>> -> memref<4x8x128xf32, #tpu.memory_space<hbm>>
    %dma_wait3A_161 = arith.constant 0 : i32
    %dma_wait3A_162 = arith.constant 0 : i32
    %dma_wait3A_163 = arith.constant 0 : i32
    %dma_wait3A_164 = tpu.memref_slice %arg4[%dma_wait3A_149, %dma_wait3A_150, %dma_wait3A_161, %dma_wait3A_162, %dma_wait3A_163] : memref<50x8x128x8x128xf32, #tpu.memory_space<hbm>> -> memref<1x1x4x8x128xf32, #tpu.memory_space<hbm>>
    %dma_wait3A_165 = tpu.memref_squeeze %dma_wait3A_164 : memref<1x1x4x8x128xf32, #tpu.memory_space<hbm>> -> memref<4x8x128xf32, #tpu.memory_space<hbm>>
    %dma_wait3A_166 = arith.constant 0 : i32
    %dma_wait3A_167 = arith.constant 0 : i32
    %dma_wait3A_168 = arith.constant 0 : i32
    %dma_wait3A_169 = tpu.memref_slice %arg8[%dma_wait3A_148, %dma_wait3A_166, %dma_wait3A_167, %dma_wait3A_168] : memref<8x4x8x128xf32, #tpu.memory_space<vmem>> -> memref<1x4x8x128xf32, #tpu.memory_space<vmem>>
    %dma_wait3A_170 = tpu.memref_squeeze %dma_wait3A_169 : memref<1x4x8x128xf32, #tpu.memory_space<vmem>> -> memref<4x8x128xf32, #tpu.memory_space<vmem>>
    tpu.wait_dma2 semaphore(%arg11 : memref<!tpu.dma_semaphore, #tpu.memory_space<semaphore_mem>>) src(%dma_wait3A_170 : memref<4x8x128xf32, #tpu.memory_space<vmem>>) dst(%dma_wait3A_165 : memref<4x8x128xf32, #tpu.memory_space<hbm>>)
    %dma_wait3A_171 = arith.constant 0 : i32
    %dma_wait3A_172 = arith.constant 0 : i32
    %dma_wait3A_173 = arith.constant 0 : i32
    %dma_wait3A_174 = arith.constant 0 : i32
    %dma_wait3A_175 = arith.constant 0 : i32
    %dma_wait3A_176 = arith.constant 0 : i32
    %dma_wait3A_177 = tpu.memref_slice %arg8[%dma_wait3A_171, %dma_wait3A_174, %dma_wait3A_175, %dma_wait3A_176] : memref<8x4x8x128xf32, #tpu.memory_space<vmem>> -> memref<1x4x8x128xf32, #tpu.memory_space<vmem>>
    %dma_wait3A_178 = tpu.memref_squeeze %dma_wait3A_177 : memref<1x4x8x128xf32, #tpu.memory_space<vmem>> -> memref<4x8x128xf32, #tpu.memory_space<vmem>>
    %dma_wait3A_179 = arith.constant 0 : i32
    %dma_wait3A_180 = arith.constant 0 : i32
    %dma_wait3A_181 = arith.constant 0 : i32
    %dma_wait3A_182 = tpu.memref_slice %arg4[%dma_wait3A_172, %dma_wait3A_173, %dma_wait3A_179, %dma_wait3A_180, %dma_wait3A_181] : memref<50x8x128x8x128xf32, #tpu.memory_space<hbm>> -> memref<1x1x4x8x128xf32, #tpu.memory_space<hbm>>
    %dma_wait3A_183 = tpu.memref_squeeze %dma_wait3A_182 : memref<1x1x4x8x128xf32, #tpu.memory_space<hbm>> -> memref<4x8x128xf32, #tpu.memory_space<hbm>>
    %dma_wait3A_184 = arith.constant 0 : i32
    %dma_wait3A_185 = arith.constant 0 : i32
    %dma_wait3A_186 = arith.constant 0 : i32
    %dma_wait3A_187 = tpu.memref_slice %arg4[%dma_wait3A_172, %dma_wait3A_173, %dma_wait3A_184, %dma_wait3A_185, %dma_wait3A_186] : memref<50x8x128x8x128xf32, #tpu.memory_space<hbm>> -> memref<1x1x4x8x128xf32, #tpu.memory_space<hbm>>
    %dma_wait3A_188 = tpu.memref_squeeze %dma_wait3A_187 : memref<1x1x4x8x128xf32, #tpu.memory_space<hbm>> -> memref<4x8x128xf32, #tpu.memory_space<hbm>>
    %dma_wait3A_189 = arith.constant 0 : i32
    %dma_wait3A_190 = arith.constant 0 : i32
    %dma_wait3A_191 = arith.constant 0 : i32
    %dma_wait3A_192 = tpu.memref_slice %arg8[%dma_wait3A_171, %dma_wait3A_189, %dma_wait3A_190, %dma_wait3A_191] : memref<8x4x8x128xf32, #tpu.memory_space<vmem>> -> memref<1x4x8x128xf32, #tpu.memory_space<vmem>>
    %dma_wait3A_193 = tpu.memref_squeeze %dma_wait3A_192 : memref<1x4x8x128xf32, #tpu.memory_space<vmem>> -> memref<4x8x128xf32, #tpu.memory_space<vmem>>
    tpu.wait_dma2 semaphore(%arg11 : memref<!tpu.dma_semaphore, #tpu.memory_space<semaphore_mem>>) src(%dma_wait3A_193 : memref<4x8x128xf32, #tpu.memory_space<vmem>>) dst(%dma_wait3A_188 : memref<4x8x128xf32, #tpu.memory_space<hbm>>)
    return
  }
}

</mosaic_0001>

<sc_bundles>
// kernel: _embedding_gather.3.cloned.1.call-start
scs
__scs_entry_jumppad:
0x0: {  	(pc) =	sbr.rel $0x88, $3  }
0x1: {  	(tag) =	ssettag $0x0;
	lr =	simm.s32 $0x1  }
0x2: {  	[smem:$0x3F9F] =	sst lr;
	_ =	strace $0xD0000000  }
0x3: {  	_ = 	snop  }
0x4: {  	_ = 	snop  }
0x5: {  	_ = 	snop  }
0x6: {  	_ = 	snop  }
0x7: {  	_ = 	snop  }
__scs_overlays_trampoline_lowered:
0x8: {  	[smem:$0x3FAE] =	sst s0  }
0x9: {  	[smem:$0x3FAF] =	sst s1  }
0xa: {  	[smem:$0x3FB0] =	sst s2  }
0xb: {  	[smem:$0x3FB1] =	sst s3  }
0xc: {  	[smem:$0x3FB2] =	sst s4  }
0xd: {  	[smem:$0x3FB3] =	sst s5  }
0xe: {  	[smem:$0x3FB4] =	sst s6  }
0xf: {  	[smem:$0x3FB5] =	sst s7  }
0x10: {  	[smem:$0x3FB6] =	sst s8  }
0x11: {  	[smem:$0x3FB7] =	sst s9;
	s0 =	simm.s32 @!p0 $0x0  }
0x12: {  	s1 =	sld [smem:$0x3F9D];
	s0 =	simm.s32 @p0 $0x1  }
0x13: {  	[smem:$0x3FB8] =	sst s0;
	s0 =	simm.s32 @!p1 $0x0  }
0x14: {  	s2 =	sld [smem:$0x3F9C];
	s0 =	simm.s32 @p1 $0x1  }
0x15: {  	[smem:$0x3FB9] =	sst s0;
	s0 =	simm.s32 @!p2 $0x0  }
0x16: {  	s3 =	sld [smem:$0x3FDB];
	s0 =	simm.s32 @p2 $0x1  }
0x17: {  	s4 =	simm.s32 $0x1BF5;
	[smem:$0x3FBB] =	sst s0  }
0x18: {  	s0 =	sld [smem:$0x3F9E];
	_ =	swait.ge [sflag:s4], $0x0  }
0x19: {  	s7 =	sld [smem:$0x3F9F]  }
0x1a: {  	s8 =	sadd.s32 $0xFFFFE003, lr  }
0x1b: {  	s9 =	sadd.s32 $0xFFFFFEF7, lr;
	s5 =	simm.s32 $0xFFFFFFFF;
	p2 =	slt.u32 s8, $0xFFFFF086  }
0x1c: {  	p1 =	slt.u32 s9, $0xF7A;
	s5 =	simm.s32 @!p2 $0x0  }
0x1d: {  	s5 =	simm.s32 @p1 $0x1;
	p0 =	seq.s32 s7, s2  }
0x1e: {  	s7 =	smul.u32 @!p0 $0xF7A, s2;
	p2 =	seq.s32 @!p0 s5, $0x0  }
0x1f: {  	s9 =	smul.u32 $0xF7A, s1;
	s8 =	simm.s32 @!p0 $0x1BF5;
	p2 =	por !p2, p0  }
0x20: {  	[sflag:s8] =	ssyncset.s32 @!p0 $0xFFFFF086;
	s6 =	sadd.s32 @!p0 s3, s7;
	s7 =	simm.s32 @!p0 $0x108  }
0x21: {  	s3 =	sadd.s32 s3, s9;
	s6 =	sadd.s32 @!p0 $0x88, s6;
	s7 =	simm.s32 @p2 $0x1082  }
0x22: {  	[simem:s7], [sflag:s8] =	dma.local @!p0 [hbm:s6], $0xF7A  }
0x23: {  	s9 =	sor.u32 $0xD0000000, s2;
	s6 =	simm.s32 $0x108;
	_ =	swait.ge @!p0 [sflag:s8], $0x0  }
0x24: {  	s3 =	sadd.s32 $0x88, s3;
	s6 =	simm.s32 @!p1 $0x1082;
	[sflag:s4] =	ssyncset.s32 $0xFFFFF086  }
0x25: {  	[simem:s6], [sflag:s4] =	dma.local [hbm:s3], $0xF7A  }
0x26: {  	[smem:$0x3F9F] =	sst s1;
	(tag) =	ssettag s2;
	_ =	strace s9  }
0x27: {  	s1 =	sld [smem:$0x3FAF]  }
0x28: {  	s2 =	sld [smem:$0x3FB0]  }
0x29: {  	s4 =	sld [smem:$0x3FB2]  }
0x2a: {  	p0 =	seq.s32 s5, $0x0;
	s5 =	sld [smem:$0x3FB3]  }
0x2b: {  	s6 =	sld [smem:$0x3FB4]  }
0x2c: {  	s7 =	sld [smem:$0x3FB5]  }
0x2d: {  	s3 =	simm.s32 $0x108;
	s8 =	sld [smem:$0x3FB6]  }
0x2e: {  	s3 =	simm.s32 @!p0 $0x1082;
	s9 =	sld [smem:$0x3FB7]  }
0x2f: {  	lr =	sadd.s32 s0, s3;
	s0 =	sld [smem:$0x3FAE]  }
0x30: {  	s3 =	sld [smem:$0x3FB1]  }
0x31: {  	[smem:$0x3FBA] =	sst s10  }
0x32: {  	s10 =	sld [smem:$0x3FB8];
	_ =	sdelay $0x3  }
0x33: {  	p0 =	seq.s32 s10, $0x1;
	s10 =	sld [smem:$0x3FBA];
	_ =	sdelay $0x3  }
0x34: {  	[smem:$0x3FBA] =	sst s10  }
0x35: {  	s10 =	sld [smem:$0x3FB9];
	_ =	sdelay $0x3  }
0x36: {  	p1 =	seq.s32 s10, $0x1;
	s10 =	sld [smem:$0x3FBA];
	_ =	sdelay $0x3  }
0x37: {  	[smem:$0x3FBA] =	sst s10  }
0x38: {  	s10 =	sld [smem:$0x3FBB]  }
0x39: {  	_ = 	snop;
	(pc) =	sbr.ind lr, $3  }
0x3a: {  	_ = 	snop  }
0x3b: {  	_ = 	snop  }
0x3c: {  	p2 =	seq.s32 s10, $0x1;
	s10 =	sld [smem:$0x3FBA]  }
0x3d: {  	_ =	shalt  }
0x3e: {  	_ =	shalt  }
0x3f: {  	_ =	shalt  }
0x40: {  	_ =	shalt  }
0x41: {  	_ =	shalt  }
0x42: {  	_ =	shalt  }
0x43: {  	_ =	shalt  }
0x44: {  	_ =	shalt  }
0x45: {  	_ =	shalt  }
0x46: {  	_ =	shalt  }
0x47: {  	_ =	shalt  }
0x48: {  	_ =	shalt  }
0x49: {  	_ =	shalt  }
0x4a: {  	_ =	shalt  }
0x4b: {  	_ =	shalt  }
0x4c: {  	_ =	shalt  }
0x4d: {  	_ =	shalt  }
0x4e: {  	_ =	shalt  }
0x4f: {  	_ =	shalt  }
0x50: {  	_ =	shalt  }
0x51: {  	_ =	shalt  }
0x52: {  	_ =	shalt  }
0x53: {  	_ =	shalt  }
0x54: {  	_ =	shalt  }
0x55: {  	_ =	shalt  }
0x56: {  	_ =	shalt  }
0x57: {  	_ =	shalt  }
0x58: {  	_ =	shalt  }
0x59: {  	_ =	shalt  }
0x5a: {  	_ =	shalt  }
0x5b: {  	_ =	shalt  }
0x5c: {  	_ =	shalt  }
0x5d: {  	_ =	shalt  }
0x5e: {  	_ =	shalt  }
0x5f: {  	_ =	shalt  }
0x60: {  	_ =	shalt  }
0x61: {  	_ =	shalt  }
0x62: {  	_ =	shalt  }
0x63: {  	_ =	shalt  }
0x64: {  	_ =	shalt  }
0x65: {  	_ =	shalt  }
0x66: {  	_ =	shalt  }
0x67: {  	_ =	shalt  }
0x68: {  	_ =	shalt  }
0x69: {  	_ =	shalt  }
0x6a: {  	_ =	shalt  }
0x6b: {  	_ =	shalt  }
0x6c: {  	_ =	shalt  }
0x6d: {  	_ =	shalt  }
0x6e: {  	_ =	shalt  }
0x6f: {  	_ =	shalt  }
0x70: {  	_ =	shalt  }
0x71: {  	_ =	shalt  }
0x72: {  	_ =	shalt  }
0x73: {  	_ =	shalt  }
0x74: {  	_ =	shalt  }
0x75: {  	_ =	shalt  }
0x76: {  	_ =	shalt  }
0x77: {  	_ =	shalt  }
0x78: {  	_ =	shalt  }
0x79: {  	_ =	shalt  }
0x7a: {  	_ =	shalt  }
0x7b: {  	_ =	shalt  }
0x7c: {  	_ =	shalt  }
0x7d: {  	_ =	shalt  }
0x7e: {  	_ =	shalt  }
0x7f: {  	_ =	shalt  }
0x80: {  	_ =	shalt  }
0x81: {  	_ =	shalt  }
0x82: {  	_ =	shalt  }
0x83: {  	_ =	shalt  }
0x84: {  	_ =	shalt  }
0x85: {  	_ =	shalt  }
0x86: {  	_ =	shalt  }
0x87: {  	_ =	shalt  }
.Lfunc_end0:
.L_simem_size_0:
called_computation_lowered:
.L_overlay_start_0:
0x88: {  	s2 =	sld [smem:$0x3FD9]  }
0x89: {  	s3 =	sld [smem:$0x3FFE];
	_ =	sdelay $0x1  }
0x8a: {  	s1 =	srdreg.scid  }
0x8b: {  	s0 =	sand.u32 $0x1, s1  }
0x8c: {  	s17 =	sshll.u32 s0, $0xA;
	s2 =	sadd.s32 s3, s2  }
0x8d: {  	s2 =	sadd.s32 s2, s17  }
0x8e: {  	[smem:$0x3FC6] =	sst s2  }
0x8f: {  	_ = 	snop  }
0x90: {  	s2 =	sld [smem:$0x3FC8]  }
0x91: {  	s18 =	sld [smem:$0x3FD0];
	(tm) =	ssettm $0x1  }
0x92: {  	s4 =	sld [smem:$0x3FFB];
	_ =	sdelay $0x3  }
0x93: {  	_ =	strace s4  }
0x94: {  	s4 =	sld [smem:$0x3FFC];
	_ =	sdelay $0x3  }
0x95: {  	_ =	strace s4  }
0x96: {  	s4 =	sld [smem:$0x3FFD];
	_ =	sdelay $0x3  }
0x97: {  	_ =	strace s4  }
0x98: {  	_ =	strace $0x8FFFFFFF  }
0x99: {  	s19 =	sld [smem:$0x3FDB];
	_ =	sdelay $0x1  }
0x9a: {  	s5 =	simm.s32 $_scs_section_size  }
0x9b: {  	s6 =	simm.s32 $_size__tile_overlayer_lowered;
	s7 =	simm.s32 $_tile_overlayer_lowered  }
0x9c: {  	s22 =	simm.s32 $0x1BFF;
	s21 =	sshll.u32 s7, $0x1;
	s4 =	sadd.s32 s5, s19  }
0x9d: {  	s8 =	simm.s32 $0x0;
	s20 =	sshll.u32 s6, $0x1;
	s6 =	sadd.s32 s21, s4  }
0x9e: {  	[timem:s8], [sflag:s22] =	dma.local [hbm:s6], s20  }
0x9f: {  	_ =	swait.ge [sflag:s22], s20  }
0xa0: {  	s5 =	ssub.s32 $0x0, s20;
	[sflag:s22] =	ssyncset.done $0x0  }
0xa1: {  	[sflag:s22] =	ssyncadd.s32 s5;
	_ =	sdelay $0x1  }
0xa2: {  	s23 =	simm.s32 $0x1B8B  }
0xa3: {  	_ =	swait.ge [sflag:s23], $0x1  }
0xa4: {  	[sflag:s23] =	ssyncset.done $0x0  }
0xa5: {  	s25 =	simm.s32 $0x1B8E;
	s24 =	sld [smem:$0x3FFE];
	[sflag:s23] =	ssyncadd.s32 $0xFFFFFFFF  }
0xa6: {  	s26 =	simm.s32 $execute0_lowered;
	[smem:$0x3FD2] =	sst s25  }
0xa7: {  	s6 =	sshll.u32 s26, $0x1;
	_ =	strace $0x80000046;
	[dreg:$0x1] =	wrdreg $0xFFFFFFFF  }
0xa8: {  	s28 =	simm.s32 $_size_execute0_lowered;
	s4 =	sadd.s32 s4, s6;
	[dreg:$0x0] =	wrdreg $0x0  }
0xa9: {  	s6 =	sshll.u32 s28, $0x1;
	[dreg:$0x2] =	wrdreg s4  }
0xaa: {  	[dreg:$0x3] =	wrdreg s6  }
0xab: {  	[dreg:$0x4] =	wrdreg $0xC0  }
0xac: {  	_ =	task [dreg:s8], $0x5FFFF  }
0xad: {  	[dreg:$0x1] =	wrdreg $0xFFFFFFFF  }
0xae: {  	[dreg:$0x0] =	wrdreg $0x60  }
0xaf: {  	[dreg:$0x2] =	wrdreg s24  }
0xb0: {  	[dreg:$0x3] =	wrdreg s2  }
0xb1: {  	[dreg:$0x4] =	wrdreg s18  }
0xb2: {  	[dreg:$0x5] =	wrdreg $0x9  }
0xb3: {  	_ =	task.clear_ibuf [dreg:s8], $0x6FFFF;
	_ =	strace $0x90000046  }
0xb4: {  	s29 =	simm.s32 $0x9;
	_ =	strace $0x80000048  }
0xb5: {  	_ =	swait.ge [sflag:s29], $0x1  }
0xb6: {  	[sflag:s29] =	ssyncadd.s32 $0xFFFFFFFF  }
0xb7: {  	_ =	strace $0x90000048  }
0xb8: {  	_ =	sfence  }
0xb9: {  	s30 =	sld [smem:$0x0];
	_ =	sdelay $0x2  }
0xba: {  	s31 =	sshll.u32 s1, $0xD;
	s1 =	sshrl.u32 s1, $0x2  }
0xbb: {  	s3 =	sand.u32 $0x4000, s31;
	s1 =	sadd.s32 s1, s30  }
0xbc: {  	s0 =	sor.u32 s3, s0;
	s1 =	sshll.u32 s1, $0x11  }
0xbd: {  	s0 =	sor.u32 s1, s0  }
0xbe: {  	s0 =	sadd.s32 $0x8F2B, s0  }
0xbf: {  	[sflag:s0] =	ssyncadd.remote.s32 $0x1  }
0xc0: {  	_ =	sfence.sel $0xFFFF  }
0xc1: {  	[dreg:$0x0] =	wrdreg $0xFFFFFFFF;
	(pc) =	sbr.abs _section_cstart, $3  }
0xc2: {  	[dreg:$0x1] =	wrdreg $0xFFFFFFFF  }
0xc3: {  	_ =	task.clear_ibuf [dreg:s8], $0x2FFFF;
	_ =	strace $0x9FFFFFFF  }
0xc4: {  	(tm) =	ssettm $0x7FFFFFFF  }
0xc5: {  	_ =	shalt  }
tec
execute0_lowered:
.L_overlay_start_1:
0x0: {  	(tag) =	ssettag $0x1  }
0x1: {  	s0 =	rddreg [dreg:$0x0]  }
0x2: {  	s1 =	rddreg [dreg:$0x1];
	s3 =	srdreg.scid  }
0x3: {  	s2 =	stileid.u32;
	s31 =	rddreg [dreg:$0x2]  }
0x4: {  	s17 =	simm.s32 $0x6400;
	s18 =	simm.s32 $0x1;
	s19 =	simm.s32 $0xE400  }
0x5: {  	s20 =	simm.s32 $0x16400;
	s22 =	simm.s32 $0x18400;
	s23 =	simm.s32 $0x19400  }
0x6: {  	s24 =	simm.s32 $0x1A400;
	s25 =	simm.s32 $0x1B400;
	s28 =	simm.s32 $0x1D400  }
0x7: {  	s29 =	simm.s32 $0x2;
	s30 =	simm.s32 $0x3;
	s4 =	sand.u32 $0x1, s3  }
0x8: {  	s5 =	sshll.u32 s2, $0x1;
	s3 =	simm.s32 $0x0;
	s8 =	sadd.s32 $0x8000, s31  }
0x9: {  	s9 =	sadd.s32 $0xC000, s31;
	s10 =	sadd.s32 $0x10000, s31;
	s11 =	sadd.s32 $0x14000, s31  }
0xa: {  	s12 =	sadd.s32 $0x18000, s31;
	s13 =	sadd.s32 $0x1C000, s31;
	s5 =	sor.u32 s4, s5  }
0xb: {  	[smem:$0x7FF] =	sst s3;
	s6 =	ssub.s32 $0x2, s4;
	s7 =	smul.u32 $0xC80, s5  }
0xc: {  	s4 =	sadd.s32 $0xF42800, s0;
	_ =	strace $0x80000047;
	s26 =	sshrl.u32 s6, $0x1  }
0xd: {  	s0 =	ssub.s32 s6, s26;
	s6 =	smul.u32 $0x32, s5;
	s1 =	sadd.s32 s1, s7  }
0xe: {  	v0 =	vlaneseq.u32;
	s26 =	simm.s32 $0x1C400;
	s0 =	smax.u32 s0, $0x1;
	[dreg:$0x4] =	wrdreg s1  }
0xf: {  	v1 =	vmul.u32 $0x40, v0;
	s7 =	sadd.s32 $0x4000, s31;
	[dreg:$0x5] =	wrdreg s0;
	s1 =	simm.s32 $0x0  }
.LBB2_1:
0x10: {  	[dreg:$0x6] =	wrdreg s1  }
0x11: {  	s0 =	rddreg [dreg:$0x4];
	s16 =	simm.s32 $0x4  }
0x12: {  	[tilespmem:s3], [sflag:$0x4] =	stream.linear.gather [hbm4b:s0+s3], $0x6400, $0x38;
	[tilespmem:$0x1E400] =	vst v63  }
0x13: {  	_ =	swait.ge [sflag:s16], $0x6400  }
0x14: {  	[sflag:s16] =	ssyncset.done $0x0  }
0x15: {  	s21 =	simm.s32 $0x200;
	s1 =	simm.s32 $0x0;
	[sflag:s16] =	ssyncadd.s32 $0xFFFF9C00  }
0x16: {  	[tilespmem:s17], [sflag:$0x1] =	stream.indirect.gather [hbm4b:s4+s21], $0x40, s3, s21, $0xb8;
	[tilespmem:$0x1E400] =	vst v63  }
.LBB2_2:
0x17: {  	_ =	swait.ge [sflag:s18], $0x8000;
	s0 =	sshllo.u32 s1, $0x1;
	s2 =	simm.s32 $0x200  }
0x18: {  	p0 =	seq.s32 s1, $0x0;
	[sflag:s18] =	ssyncset.done $0x0;
	s5 =	sshll.u32 s0, $0x9  }
0x19: {  	s14 =	simm.s32 @!p0 $0x3;
	[sflag:s18] =	ssyncadd.s32 $0xFFFF8000;
	s5 =	sand.u32 $0x3FFFFE00, s5  }
0x1a: {  	[tilespmem:s19], [sflag:$0x2] =	stream.indirect.gather [hbm4b:s4+s2], $0x40, s5, s2, $0xb8;
	[tilespmem:$0x1E400] =	vst v63  }
0x1b: {  	_ =	swait.ge @!p0 [sflag:s14], $0x1000  }
0x1c: {  	[sflag:s14] =	ssyncset.done @!p0 $0x0  }
0x1d: {  	[sflag:s14] =	ssyncadd.s32 @!p0 $0xFFFFF000  }
0x1e: {  	_ =	swait.ge @!p0 [sflag:s14], $0x1000  }
0x1f: {  	[sflag:s14] =	ssyncset.done @!p0 $0x0  }
0x20: {  	[sflag:s14] =	ssyncadd.s32 @!p0 $0xFFFFF000  }
0x21: {  	_ =	swait.ge @!p0 [sflag:s14], $0x1000  }
0x22: {  	[sflag:s14] =	ssyncset.done @!p0 $0x0  }
0x23: {  	[sflag:s14] =	ssyncadd.s32 @!p0 $0xFFFFF000  }
0x24: {  	_ =	swait.ge @!p0 [sflag:s14], $0x1000  }
0x25: {  	[sflag:s14] =	ssyncset.done @!p0 $0x0  }
0x26: {  	[sflag:s14] =	ssyncadd.s32 @!p0 $0xFFFFF000  }
0x27: {  	_ =	swait.ge @!p0 [sflag:s14], $0x1000  }
0x28: {  	[sflag:s14] =	ssyncset.done @!p0 $0x0  }
0x29: {  	[sflag:s14] =	ssyncadd.s32 @!p0 $0xFFFFF000  }
0x2a: {  	_ =	swait.ge @!p0 [sflag:s14], $0x1000  }
0x2b: {  	[sflag:s14] =	ssyncset.done @!p0 $0x0  }
0x2c: {  	[sflag:s14] =	ssyncadd.s32 @!p0 $0xFFFFF000  }
0x2d: {  	_ =	swait.ge @!p0 [sflag:s14], $0x1000  }
0x2e: {  	[sflag:s14] =	ssyncset.done @!p0 $0x0  }
0x2f: {  	[sflag:s14] =	ssyncadd.s32 @!p0 $0xFFFFF000  }
0x30: {  	_ =	swait.ge @!p0 [sflag:s14], $0x1000  }
0x31: {  	s21 =	smov.u32 s31;
	s31 =	sshll.u32 s1, $0x1;
	[sflag:s14] =	ssyncset.done @!p0 $0x0  }
0x32: {  	s5 =	sadd.s32 s6, s31;
	[sflag:s14] =	ssyncadd.s32 @!p0 $0xFFFFF000;
	s14 =	simm.s32 $0x0  }
.LBB2_3:
0x33: {  	s15 =	simm.s32 $0x0  }
0x34: {  	v2 =	vmov s15  }
0x35: {  	v3 =	vadd.s32 s14, v0;
	v4 =	vshll.u32 v2, $0x6  }
0x36: {  	v2 =	vand.u32 $0xF, v3;
	v9 =	vor.u32 v1, v4  }
0x37: {  	v5 =	vor.u32 v9, v2  }
0x38: {  	v4 =	vshll.u32 v3, $0x9;
	v3 =	vshll.u32 v3, $0x7  }
0x39: {  	s31 =	simm.s32 $0x0;
	v4 =	vand.u32 $0x1000, v4;
	v3 =	vand.u32 $0x380, v3  }
0x3a: {  	s15 =	sand.u32 $0x40, s15;
	s31 =	sand.u32 $0xFFFFFC00, s31;
	v3 =	vor.u32 v4, v3  }
0x3b: {  	v12 =	vor.u32 s15, v0;
	v11 =	vor.u32 s31, v3  }
0x3c: {  	v4 =	vor.u32 $0x10, v2;
	v7 =	vor.u32 v11, v12;
	v6 =	vld.idx.msk [tilespmem:v5+s17+$0x0], $0xffff  }
0x3d: {  	v8 =	vor.u32 v9, v4;
	_ =	sdelay $0x2  }
0x3e: {  	v5 =	vor.u32 $0x2000, v3  }
0x3f: {  	v13 =	vor.u32 s31, v5;
	[tilespmem:v7+s20+$0x0] =	vst.idx.msk $0xffff, v6  }
0x40: {  	v10 =	vor.u32 v13, v12;
	v6 =	vor.u32 $0x20, v2;
	v8 =	vld.idx.msk [tilespmem:v8+s17+$0x0], $0xffff  }
0x41: {  	v14 =	vor.u32 v9, v6;
	_ =	sdelay $0x2  }
0x42: {  	v7 =	vor.u32 $0x4000, v3  }
0x43: {  	v15 =	vor.u32 s31, v7;
	[tilespmem:v10+s20+$0x0] =	vst.idx.msk $0xffff, v8  }
0x44: {  	v8 =	vor.u32 $0x30, v2;
	v10 =	vld.idx.msk [tilespmem:v14+s17+$0x0], $0xffff;
	v14 =	vor.u32 v15, v12  }
0x45: {  	v16 =	vor.u32 v9, v8;
	_ =	sdelay $0x1  }
0x46: {  	s16 =	simm.s32 $0x10  }
0x47: {  	v17 =	vmov s16;
	v9 =	vor.u32 $0x6000, v3  }
0x48: {  	[tilespmem:v14+s20+$0x0] =	vst.idx.msk $0xffff, v10;
	v10 =	vor.u32 s31, v9;
	v14 =	vshll.u32 v17, $0x6  }
0x49: {  	v16 =	vld.idx.msk [tilespmem:v16+s17+$0x0], $0xffff;
	v12 =	vor.u32 v10, v12;
	v14 =	vor.u32 v1, v14  }
0x4a: {  	v47 =	vor.u32 v14, v2;
	_ =	sdelay $0x2  }
0x4b: {  	s15 =	sand.u32 $0x50, s16  }
0x4c: {  	[tilespmem:v12+s20+$0x0] =	vst.idx.msk $0xffff, v16;
	v12 =	vor.u32 s15, v0  }
0x4d: {  	v16 =	vld.idx.msk [tilespmem:v47+s17+$0x0], $0xffff;
	v48 =	vor.u32 v11, v12  }
0x4e: {  	v18 =	vor.u32 v14, v4;
	_ =	sdelay $0x3  }
0x4f: {  	[tilespmem:v48+s20+$0x0] =	vst.idx.msk $0xffff, v16  }
0x50: {  	v49 =	vor.u32 v13, v12;
	v16 =	vld.idx.msk [tilespmem:v18+s17+$0x0], $0xffff  }
0x51: {  	v50 =	vor.u32 v14, v6;
	_ =	sdelay $0x3  }
0x52: {  	[tilespmem:v49+s20+$0x0] =	vst.idx.msk $0xffff, v16  }
0x53: {  	v51 =	vor.u32 v15, v12;
	v16 =	vld.idx.msk [tilespmem:v50+s17+$0x0], $0xffff  }
0x54: {  	v14 =	vor.u32 v14, v8;
	_ =	sdelay $0x1  }
0x55: {  	s2 =	simm.s32 $0x20  }
0x56: {  	v52 =	vmov s2  }
0x57: {  	v53 =	vshll.u32 v52, $0x6;
	[tilespmem:v51+s20+$0x0] =	vst.idx.msk $0xffff, v16  }
0x58: {  	v12 =	vor.u32 v10, v12;
	v16 =	vor.u32 v1, v53;
	v14 =	vld.idx.msk [tilespmem:v14+s17+$0x0], $0xffff  }
0x59: {  	v54 =	vor.u32 v16, v2;
	_ =	sdelay $0x2  }
0x5a: {  	s15 =	sand.u32 $0x60, s2  }
0x5b: {  	[tilespmem:v12+s20+$0x0] =	vst.idx.msk $0xffff, v14;
	v12 =	vor.u32 s15, v0  }
0x5c: {  	v14 =	vld.idx.msk [tilespmem:v54+s17+$0x0], $0xffff;
	v55 =	vor.u32 v11, v12  }
0x5d: {  	v56 =	vor.u32 v16, v4;
	_ =	sdelay $0x3  }
0x5e: {  	[tilespmem:v55+s20+$0x0] =	vst.idx.msk $0xffff, v14  }
0x5f: {  	v57 =	vor.u32 v13, v12;
	v14 =	vld.idx.msk [tilespmem:v56+s17+$0x0], $0xffff  }
0x60: {  	v58 =	vor.u32 v16, v6;
	_ =	sdelay $0x3  }
0x61: {  	[tilespmem:v57+s20+$0x0] =	vst.idx.msk $0xffff, v14  }
0x62: {  	v59 =	vor.u32 v15, v12;
	v14 =	vld.idx.msk [tilespmem:v58+s17+$0x0], $0xffff  }
0x63: {  	v16 =	vor.u32 v16, v8;
	_ =	sdelay $0x1  }
0x64: {  	s16 =	simm.s32 $0x30  }
0x65: {  	v60 =	vmov s16  }
0x66: {  	[tilespmem:v59+s20+$0x0] =	vst.idx.msk $0xffff, v14;
	v14 =	vshll.u32 v60, $0x6  }
0x67: {  	v12 =	vor.u32 v10, v12;
	v16 =	vld.idx.msk [tilespmem:v16+s17+$0x0], $0xffff;
	v61 =	vor.u32 v1, v14  }
0x68: {  	v62 =	vor.u32 v61, v2;
	_ =	sdelay $0x2  }
0x69: {  	s15 =	sand.u32 $0x70, s16  }
0x6a: {  	v14 =	vor.u32 s15, v0;
	[tilespmem:v12+s20+$0x0] =	vst.idx.msk $0xffff, v16  }
0x6b: {  	v11 =	vor.u32 v11, v14;
	v12 =	vld.idx.msk [tilespmem:v62+s17+$0x0], $0xffff  }
0x6c: {  	v63 =	vor.u32 v61, v4;
	_ =	sdelay $0x3  }
0x6d: {  	[tilespmem:v11+s20+$0x0] =	vst.idx.msk $0xffff, v12  }
0x6e: {  	v12 =	vor.u32 v13, v14;
	v11 =	vld.idx.msk [tilespmem:v63+s17+$0x0], $0xffff  }
0x6f: {  	v13 =	vor.u32 v61, v6;
	_ =	sdelay $0x3  }
0x70: {  	[tilespmem:v12+s20+$0x0] =	vst.idx.msk $0xffff, v11  }
0x71: {  	v11 =	vld.idx.msk [tilespmem:v13+s17+$0x0], $0xffff;
	v13 =	vor.u32 v15, v14  }
0x72: {  	v12 =	vor.u32 v61, v8;
	_ =	sdelay $0x1  }
0x73: {  	s31 =	simm.s32 $0x70;
	s15 =	simm.s32 $0x0  }
.LBB2_4:
0x74: {  	s16 =	sadd.s32 $0xFFFFFFD0, s31  }
0x75: {  	v15 =	vmov s16;
	[tilespmem:v13+s20+$0x0] =	vst.idx.msk $0xffff, v11  }
0x76: {  	v11 =	vshll.u32 v15, $0x6;
	v12 =	vld.idx.msk [tilespmem:v12+s17+$0x0], $0xffff  }
0x77: {  	v10 =	vor.u32 v10, v14;
	v15 =	vor.u32 v1, v11  }
0x78: {  	v11 =	vor.u32 v15, v2;
	_ =	sdelay $0x1  }
0x79: {  	s15 =	sadd.s32 $0x4, s15  }
0x7a: {  	s2 =	sshll.u32 s15, $0x7;
	p0 =	slt.u32 s15, $0x1C  }
0x7b: {  	s16 =	sand.u32 $0x40, s16;
	s2 =	sand.u32 $0xFFFFFC00, s2;
	[tilespmem:v10+s20+$0x0] =	vst.idx.msk $0xffff, v12  }
0x7c: {  	v14 =	vor.u32 s16, v0;
	v10 =	vld.idx.msk [tilespmem:v11+s17+$0x0], $0xffff;
	v11 =	vor.u32 s2, v3  }
0x7d: {  	v12 =	vor.u32 v11, v14  }
0x7e: {  	v13 =	vor.u32 v15, v4;
	_ =	sdelay $0x3  }
0x7f: {  	[tilespmem:v12+s20+$0x0] =	vst.idx.msk $0xffff, v10  }
0x80: {  	v12 =	vor.u32 s2, v5;
	v10 =	vld.idx.msk [tilespmem:v13+s17+$0x0], $0xffff  }
0x81: {  	v13 =	vor.u32 v12, v14  }
0x82: {  	v16 =	vor.u32 v15, v6;
	_ =	sdelay $0x3  }
0x83: {  	[tilespmem:v13+s20+$0x0] =	vst.idx.msk $0xffff, v10  }
0x84: {  	v13 =	vor.u32 s2, v7;
	v10 =	vld.idx.msk [tilespmem:v16+s17+$0x0], $0xffff  }
0x85: {  	v16 =	vor.u32 v13, v14  }
0x86: {  	v15 =	vor.u32 v15, v8;
	_ =	sdelay $0x2  }
0x87: {  	s16 =	sadd.s32 $0xFFFFFFE0, s31  }
0x88: {  	[tilespmem:v16+s20+$0x0] =	vst.idx.msk $0xffff, v10;
	v16 =	vmov s16  }
0x89: {  	v10 =	vor.u32 s2, v9;
	v15 =	vld.idx.msk [tilespmem:v15+s17+$0x0], $0xffff;
	v16 =	vshll.u32 v16, $0x6  }
0x8a: {  	v14 =	vor.u32 v10, v14;
	v16 =	vor.u32 v1, v16  }
0x8b: {  	v17 =	vor.u32 v16, v2;
	_ =	sdelay $0x3  }
0x8c: {  	s2 =	sand.u32 $0x50, s16;
	[tilespmem:v14+s20+$0x0] =	vst.idx.msk $0xffff, v15  }
0x8d: {  	v15 =	vor.u32 s2, v0;
	v14 =	vld.idx.msk [tilespmem:v17+s17+$0x0], $0xffff  }
0x8e: {  	v17 =	vor.u32 v11, v15  }
0x8f: {  	v18 =	vor.u32 v16, v4;
	_ =	sdelay $0x3  }
0x90: {  	[tilespmem:v17+s20+$0x0] =	vst.idx.msk $0xffff, v14  }
0x91: {  	v14 =	vld.idx.msk [tilespmem:v18+s17+$0x0], $0xffff  }
0x92: {  	v17 =	vor.u32 v12, v15  }
0x93: {  	v18 =	vor.u32 v16, v6;
	_ =	sdelay $0x3  }
0x94: {  	[tilespmem:v17+s20+$0x0] =	vst.idx.msk $0xffff, v14  }
0x95: {  	v14 =	vld.idx.msk [tilespmem:v18+s17+$0x0], $0xffff  }
0x96: {  	v17 =	vor.u32 v13, v15  }
0x97: {  	v16 =	vor.u32 v16, v8;
	_ =	sdelay $0x2  }
0x98: {  	s2 =	sadd.s32 $0xFFFFFFF0, s31  }
0x99: {  	[tilespmem:v17+s20+$0x0] =	vst.idx.msk $0xffff, v14;
	v14 =	vmov s2  }
0x9a: {  	v16 =	vld.idx.msk [tilespmem:v16+s17+$0x0], $0xffff;
	v14 =	vshll.u32 v14, $0x6  }
0x9b: {  	v15 =	vor.u32 v10, v15;
	v14 =	vor.u32 v1, v14  }
0x9c: {  	v17 =	vor.u32 v14, v2;
	_ =	sdelay $0x3  }
0x9d: {  	s2 =	sand.u32 $0x60, s2;
	[tilespmem:v15+s20+$0x0] =	vst.idx.msk $0xffff, v16  }
0x9e: {  	v16 =	vor.u32 s2, v0;
	v15 =	vld.idx.msk [tilespmem:v17+s17+$0x0], $0xffff  }
0x9f: {  	v17 =	vor.u32 v11, v16  }
0xa0: {  	v18 =	vor.u32 v14, v4;
	_ =	sdelay $0x3  }
0xa1: {  	[tilespmem:v17+s20+$0x0] =	vst.idx.msk $0xffff, v15  }
0xa2: {  	v15 =	vld.idx.msk [tilespmem:v18+s17+$0x0], $0xffff  }
0xa3: {  	v17 =	vor.u32 v12, v16  }
0xa4: {  	v18 =	vor.u32 v14, v6;
	_ =	sdelay $0x3  }
0xa5: {  	[tilespmem:v17+s20+$0x0] =	vst.idx.msk $0xffff, v15  }
0xa6: {  	v15 =	vld.idx.msk [tilespmem:v18+s17+$0x0], $0xffff  }
0xa7: {  	v17 =	vor.u32 v13, v16  }
0xa8: {  	v14 =	vor.u32 v14, v8;
	_ =	sdelay $0x3  }
0xa9: {  	[tilespmem:v17+s20+$0x0] =	vst.idx.msk $0xffff, v15;
	v15 =	vmov s31  }
0xaa: {  	v14 =	vld.idx.msk [tilespmem:v14+s17+$0x0], $0xffff;
	v15 =	vshll.u32 v15, $0x6  }
0xab: {  	v16 =	vor.u32 v10, v16;
	v15 =	vor.u32 v1, v15  }
0xac: {  	v17 =	vor.u32 v15, v2;
	_ =	sdelay $0x3  }
0xad: {  	s2 =	sand.u32 $0x70, s31;
	[tilespmem:v16+s20+$0x0] =	vst.idx.msk $0xffff, v14  }
0xae: {  	v14 =	vor.u32 s2, v0;
	v16 =	vld.idx.msk [tilespmem:v17+s17+$0x0], $0xffff  }
0xaf: {  	v11 =	vor.u32 v11, v14  }
0xb0: {  	v17 =	vor.u32 v15, v4;
	_ =	sdelay $0x3  }
0xb1: {  	[tilespmem:v11+s20+$0x0] =	vst.idx.msk $0xffff, v16  }
0xb2: {  	v11 =	vld.idx.msk [tilespmem:v17+s17+$0x0], $0xffff  }
0xb3: {  	v12 =	vor.u32 v12, v14  }
0xb4: {  	v16 =	vor.u32 v15, v6;
	_ =	sdelay $0x3  }
0xb5: {  	[tilespmem:v12+s20+$0x0] =	vst.idx.msk $0xffff, v11  }
.Ltmp0:
0xb6: {  	v11 =	vld.idx.msk [tilespmem:v16+s17+$0x0], $0xffff;
	(pc) =	sbr.rel @p0 .LBB2_4-.Ltmp0, $3  }
0xb7: {  	v13 =	vor.u32 v13, v14  }
0xb8: {  	v12 =	vor.u32 v15, v8;
	_ =	sdelay $0x1  }
0xb9: {  	s31 =	sadd.s32 $0x40, s31  }
0xba: {  	_ =	sdelay $0x3  }
0xbb: {  	[tilespmem:v13+s20+$0x0] =	vst.idx.msk $0xffff, v11;
	s14 =	sadd.s32 $0x1, s14  }
0xbc: {  	v3 =	vor.u32 v10, v14;
	v2 =	vld.idx.msk [tilespmem:v12+s17+$0x0], $0xffff;
	p0 =	sne.s32 s14, $0x10  }
.Ltmp1:
0xbd: {  	_ = 	snop;
	(pc) =	sbr.rel @p0 .LBB2_3-.Ltmp1, $2  }
0xbe: {  	_ =	sdelay $0x2  }
0xbf: {  	[tilespmem:v3+s20+$0x0] =	vst.idx.msk $0xffff, v2  }
0xc0: {  	s2 =	sshll.u32 s5, $0x9;
	s16 =	sshll.u32 s5, $0xC  }
0xc1: {  	s2 =	sand.u32 $0x3C00, s2;
	s5 =	sand.u32 $0xFFE0000, s16  }
0xc2: {  	s2 =	sor.u32 s2, s5  }
0xc3: {  	s5 =	sadd.s32 s21, s2  }
0xc4: {  	[hbm4b:s5+s3] =	stream.linear.scatter [tilespmem:s20], [sflag:$0x3], $0x1000, $0x38;
	[tilespmem:$0x1E400] =	vst v63  }
0xc5: {  	s31 =	smov.u32 s21;
	s14 =	sadd.s32 s2, s7;
	s21 =	simm.s32 $0x17400  }
0xc6: {  	[hbm4b:s14+s3] =	stream.linear.scatter [tilespmem:s21], [sflag:$0x3], $0x1000, $0x38;
	[tilespmem:$0x1E400] =	vst v63  }
0xc7: {  	s15 =	sadd.s32 s2, s8  }
0xc8: {  	[hbm4b:s15+s3] =	stream.linear.scatter [tilespmem:s22], [sflag:$0x3], $0x1000, $0x38;
	[tilespmem:$0x1E400] =	vst v63  }
0xc9: {  	s16 =	sadd.s32 s2, s9  }
0xca: {  	[hbm4b:s16+s3] =	stream.linear.scatter [tilespmem:s23], [sflag:$0x3], $0x1000, $0x38;
	[tilespmem:$0x1E400] =	vst v63  }
0xcb: {  	s14 =	sadd.s32 s2, s10  }
0xcc: {  	[hbm4b:s14+s3] =	stream.linear.scatter [tilespmem:s24], [sflag:$0x3], $0x1000, $0x38;
	[tilespmem:$0x1E400] =	vst v63  }
0xcd: {  	s15 =	sadd.s32 s2, s11  }
0xce: {  	[hbm4b:s15+s3] =	stream.linear.scatter [tilespmem:s25], [sflag:$0x3], $0x1000, $0x38;
	[tilespmem:$0x1E400] =	vst v63  }
0xcf: {  	s16 =	sadd.s32 s2, s12  }
0xd0: {  	[hbm4b:s16+s3] =	stream.linear.scatter [tilespmem:s26], [sflag:$0x3], $0x1000, $0x38;
	[tilespmem:$0x1E400] =	vst v63  }
0xd1: {  	p0 =	seq.s32 s1, $0x18;
	s2 =	sadd.s32 s2, s13  }
0xd2: {  	[hbm4b:s2+s3] =	stream.linear.scatter [tilespmem:s28], [sflag:$0x3], $0x1000, $0x38;
	[tilespmem:$0x1E400] =	vst v63  }
0xd3: {  	s2 =	sshll.u32 @!p0 s1, $0xA;
	_ =	swait.ge [sflag:s29], $0x8000  }
0xd4: {  	s5 =	simm.s32 @!p0 $0x200;
	s2 =	sand.u32 @!p0 $0x3FFFFC00, s2;
	[sflag:s29] =	ssyncset.done $0x0  }
0xd5: {  	s14 =	simm.s32 @!p0 $0x6400;
	s2 =	sadd.s32 @!p0 $0x400, s2;
	[sflag:s29] =	ssyncadd.s32 $0xFFFF8000  }
0xd6: {  	[tilespmem:s14], [sflag:$0x1] =	stream.indirect.gather @!p0 [hbm4b:s4+s5], $0x40, s2, s5, $0xb8;
	[tilespmem:$0x1E400] =	vst v63  }
0xd7: {  	_ =	swait.ge [sflag:s30], $0x1000  }
0xd8: {  	[sflag:s30] =	ssyncset.done $0x0  }
0xd9: {  	[sflag:s30] =	ssyncadd.s32 $0xFFFFF000  }
0xda: {  	_ =	swait.ge [sflag:s30], $0x1000  }
0xdb: {  	[sflag:s30] =	ssyncset.done $0x0  }
0xdc: {  	[sflag:s30] =	ssyncadd.s32 $0xFFFFF000  }
0xdd: {  	_ =	swait.ge [sflag:s30], $0x1000  }
0xde: {  	[sflag:s30] =	ssyncset.done $0x0  }
0xdf: {  	[sflag:s30] =	ssyncadd.s32 $0xFFFFF000  }
0xe0: {  	_ =	swait.ge [sflag:s30], $0x1000  }
0xe1: {  	[sflag:s30] =	ssyncset.done $0x0  }
0xe2: {  	[sflag:s30] =	ssyncadd.s32 $0xFFFFF000  }
0xe3: {  	_ =	swait.ge [sflag:s30], $0x1000  }
0xe4: {  	[sflag:s30] =	ssyncset.done $0x0  }
0xe5: {  	[sflag:s30] =	ssyncadd.s32 $0xFFFFF000  }
0xe6: {  	_ =	swait.ge [sflag:s30], $0x1000  }
0xe7: {  	[sflag:s30] =	ssyncset.done $0x0  }
0xe8: {  	[sflag:s30] =	ssyncadd.s32 $0xFFFFF000  }
0xe9: {  	_ =	swait.ge [sflag:s30], $0x1000  }
0xea: {  	[sflag:s30] =	ssyncset.done $0x0  }
0xeb: {  	[sflag:s30] =	ssyncadd.s32 $0xFFFFF000  }
0xec: {  	_ =	swait.ge [sflag:s30], $0x1000  }
0xed: {  	[sflag:s30] =	ssyncset.done $0x0  }
0xee: {  	s0 =	sadd.s32 s6, s0;
	s5 =	simm.s32 $0x0;
	[sflag:s30] =	ssyncadd.s32 $0xFFFFF000  }
.LBB2_7:
0xef: {  	s2 =	simm.s32 $0x0  }
0xf0: {  	v2 =	vmov s2  }
0xf1: {  	v3 =	vadd.s32 s5, v0;
	v4 =	vshll.u32 v2, $0x6  }
0xf2: {  	v2 =	vand.u32 $0xF, v3;
	v9 =	vor.u32 v1, v4  }
0xf3: {  	v5 =	vor.u32 v9, v2  }
0xf4: {  	v4 =	vshll.u32 v3, $0x9;
	v3 =	vshll.u32 v3, $0x7  }
0xf5: {  	s14 =	simm.s32 $0x0;
	v4 =	vand.u32 $0x1000, v4;
	v3 =	vand.u32 $0x380, v3  }
0xf6: {  	s2 =	sand.u32 $0x40, s2;
	s14 =	sand.u32 $0xFFFFFC00, s14;
	v3 =	vor.u32 v4, v3  }
0xf7: {  	v12 =	vor.u32 s2, v0;
	v11 =	vor.u32 s14, v3  }
0xf8: {  	v4 =	vor.u32 $0x10, v2;
	v7 =	vor.u32 v11, v12;
	v6 =	vld.idx.msk [tilespmem:v5+s19+$0x0], $0xffff  }
0xf9: {  	v8 =	vor.u32 v9, v4;
	_ =	sdelay $0x2  }
0xfa: {  	v5 =	vor.u32 $0x2000, v3  }
0xfb: {  	v13 =	vor.u32 s14, v5;
	[tilespmem:v7+s20+$0x0] =	vst.idx.msk $0xffff, v6  }
0xfc: {  	v10 =	vor.u32 v13, v12;
	v6 =	vor.u32 $0x20, v2;
	v8 =	vld.idx.msk [tilespmem:v8+s19+$0x0], $0xffff  }
0xfd: {  	v14 =	vor.u32 v9, v6;
	_ =	sdelay $0x2  }
0xfe: {  	v7 =	vor.u32 $0x4000, v3  }
0xff: {  	v15 =	vor.u32 s14, v7;
	[tilespmem:v10+s20+$0x0] =	vst.idx.msk $0xffff, v8  }
0x100: {  	v8 =	vor.u32 $0x30, v2;
	v10 =	vld.idx.msk [tilespmem:v14+s19+$0x0], $0xffff;
	v14 =	vor.u32 v15, v12  }
0x101: {  	v16 =	vor.u32 v9, v8;
	_ =	sdelay $0x1  }
0x102: {  	s16 =	simm.s32 $0x10  }
0x103: {  	v17 =	vmov s16;
	v9 =	vor.u32 $0x6000, v3  }
0x104: {  	[tilespmem:v14+s20+$0x0] =	vst.idx.msk $0xffff, v10;
	v10 =	vor.u32 s14, v9;
	v14 =	vshll.u32 v17, $0x6  }
0x105: {  	v16 =	vld.idx.msk [tilespmem:v16+s19+$0x0], $0xffff;
	v12 =	vor.u32 v10, v12;
	v14 =	vor.u32 v1, v14  }
0x106: {  	v47 =	vor.u32 v14, v2;
	_ =	sdelay $0x2  }
0x107: {  	s2 =	sand.u32 $0x50, s16  }
0x108: {  	[tilespmem:v12+s20+$0x0] =	vst.idx.msk $0xffff, v16;
	v12 =	vor.u32 s2, v0  }
0x109: {  	v16 =	vld.idx.msk [tilespmem:v47+s19+$0x0], $0xffff;
	v48 =	vor.u32 v11, v12  }
0x10a: {  	v18 =	vor.u32 v14, v4;
	_ =	sdelay $0x3  }
0x10b: {  	[tilespmem:v48+s20+$0x0] =	vst.idx.msk $0xffff, v16  }
0x10c: {  	v49 =	vor.u32 v13, v12;
	v16 =	vld.idx.msk [tilespmem:v18+s19+$0x0], $0xffff  }
0x10d: {  	v50 =	vor.u32 v14, v6;
	_ =	sdelay $0x3  }
0x10e: {  	[tilespmem:v49+s20+$0x0] =	vst.idx.msk $0xffff, v16  }
0x10f: {  	v51 =	vor.u32 v15, v12;
	v16 =	vld.idx.msk [tilespmem:v50+s19+$0x0], $0xffff  }
0x110: {  	v14 =	vor.u32 v14, v8;
	_ =	sdelay $0x1  }
0x111: {  	s15 =	simm.s32 $0x20  }
0x112: {  	v52 =	vmov s15  }
0x113: {  	v53 =	vshll.u32 v52, $0x6;
	[tilespmem:v51+s20+$0x0] =	vst.idx.msk $0xffff, v16  }
0x114: {  	v12 =	vor.u32 v10, v12;
	v16 =	vor.u32 v1, v53;
	v14 =	vld.idx.msk [tilespmem:v14+s19+$0x0], $0xffff  }
0x115: {  	v54 =	vor.u32 v16, v2;
	_ =	sdelay $0x2  }
0x116: {  	s2 =	sand.u32 $0x60, s15  }
0x117: {  	[tilespmem:v12+s20+$0x0] =	vst.idx.msk $0xffff, v14;
	v12 =	vor.u32 s2, v0  }
0x118: {  	v14 =	vld.idx.msk [tilespmem:v54+s19+$0x0], $0xffff;
	v55 =	vor.u32 v11, v12  }
0x119: {  	v56 =	vor.u32 v16, v4;
	_ =	sdelay $0x3  }
0x11a: {  	[tilespmem:v55+s20+$0x0] =	vst.idx.msk $0xffff, v14  }
0x11b: {  	v57 =	vor.u32 v13, v12;
	v14 =	vld.idx.msk [tilespmem:v56+s19+$0x0], $0xffff  }
0x11c: {  	v58 =	vor.u32 v16, v6;
	_ =	sdelay $0x3  }
0x11d: {  	[tilespmem:v57+s20+$0x0] =	vst.idx.msk $0xffff, v14  }
0x11e: {  	v59 =	vor.u32 v15, v12;
	v14 =	vld.idx.msk [tilespmem:v58+s19+$0x0], $0xffff  }
0x11f: {  	v16 =	vor.u32 v16, v8;
	_ =	sdelay $0x1  }
0x120: {  	s16 =	simm.s32 $0x30  }
0x121: {  	v60 =	vmov s16  }
0x122: {  	[tilespmem:v59+s20+$0x0] =	vst.idx.msk $0xffff, v14;
	v14 =	vshll.u32 v60, $0x6  }
0x123: {  	v12 =	vor.u32 v10, v12;
	v16 =	vld.idx.msk [tilespmem:v16+s19+$0x0], $0xffff;
	v61 =	vor.u32 v1, v14  }
0x124: {  	v62 =	vor.u32 v61, v2;
	_ =	sdelay $0x2  }
0x125: {  	s2 =	sand.u32 $0x70, s16  }
0x126: {  	v14 =	vor.u32 s2, v0;
	[tilespmem:v12+s20+$0x0] =	vst.idx.msk $0xffff, v16  }
0x127: {  	v11 =	vor.u32 v11, v14;
	v12 =	vld.idx.msk [tilespmem:v62+s19+$0x0], $0xffff  }
0x128: {  	v63 =	vor.u32 v61, v4;
	_ =	sdelay $0x3  }
0x129: {  	[tilespmem:v11+s20+$0x0] =	vst.idx.msk $0xffff, v12  }
0x12a: {  	v12 =	vor.u32 v13, v14;
	v11 =	vld.idx.msk [tilespmem:v63+s19+$0x0], $0xffff  }
0x12b: {  	v13 =	vor.u32 v61, v6;
	_ =	sdelay $0x3  }
0x12c: {  	[tilespmem:v12+s20+$0x0] =	vst.idx.msk $0xffff, v11  }
0x12d: {  	v11 =	vld.idx.msk [tilespmem:v13+s19+$0x0], $0xffff;
	v13 =	vor.u32 v15, v14  }
0x12e: {  	v12 =	vor.u32 v61, v8;
	_ =	sdelay $0x1  }
0x12f: {  	s14 =	simm.s32 $0x0;
	s15 =	simm.s32 $0x70  }
.LBB2_8:
0x130: {  	s2 =	sadd.s32 $0xFFFFFFD0, s15  }
0x131: {  	v15 =	vmov s2;
	[tilespmem:v13+s20+$0x0] =	vst.idx.msk $0xffff, v11  }
0x132: {  	v11 =	vshll.u32 v15, $0x6;
	v12 =	vld.idx.msk [tilespmem:v12+s19+$0x0], $0xffff  }
0x133: {  	v10 =	vor.u32 v10, v14;
	v15 =	vor.u32 v1, v11  }
0x134: {  	v11 =	vor.u32 v15, v2;
	_ =	sdelay $0x1  }
0x135: {  	s14 =	sadd.s32 $0x4, s14  }
0x136: {  	s16 =	sshll.u32 s14, $0x7;
	p0 =	slt.u32 s14, $0x1C  }
0x137: {  	s2 =	sand.u32 $0x40, s2;
	s16 =	sand.u32 $0xFFFFFC00, s16;
	[tilespmem:v10+s20+$0x0] =	vst.idx.msk $0xffff, v12  }
0x138: {  	v14 =	vor.u32 s2, v0;
	v10 =	vld.idx.msk [tilespmem:v11+s19+$0x0], $0xffff;
	v11 =	vor.u32 s16, v3  }
0x139: {  	v12 =	vor.u32 v11, v14  }
0x13a: {  	v13 =	vor.u32 v15, v4;
	_ =	sdelay $0x3  }
0x13b: {  	[tilespmem:v12+s20+$0x0] =	vst.idx.msk $0xffff, v10  }
0x13c: {  	v12 =	vor.u32 s16, v5;
	v10 =	vld.idx.msk [tilespmem:v13+s19+$0x0], $0xffff  }
0x13d: {  	v13 =	vor.u32 v12, v14  }
0x13e: {  	v16 =	vor.u32 v15, v6;
	_ =	sdelay $0x3  }
0x13f: {  	[tilespmem:v13+s20+$0x0] =	vst.idx.msk $0xffff, v10  }
0x140: {  	v13 =	vor.u32 s16, v7;
	v10 =	vld.idx.msk [tilespmem:v16+s19+$0x0], $0xffff  }
0x141: {  	v16 =	vor.u32 v13, v14  }
0x142: {  	v15 =	vor.u32 v15, v8;
	_ =	sdelay $0x2  }
0x143: {  	s2 =	sadd.s32 $0xFFFFFFE0, s15  }
0x144: {  	[tilespmem:v16+s20+$0x0] =	vst.idx.msk $0xffff, v10;
	v16 =	vmov s2  }
0x145: {  	v10 =	vor.u32 s16, v9;
	v15 =	vld.idx.msk [tilespmem:v15+s19+$0x0], $0xffff;
	v16 =	vshll.u32 v16, $0x6  }
0x146: {  	v14 =	vor.u32 v10, v14;
	v16 =	vor.u32 v1, v16  }
0x147: {  	v17 =	vor.u32 v16, v2;
	_ =	sdelay $0x3  }
0x148: {  	s2 =	sand.u32 $0x50, s2;
	[tilespmem:v14+s20+$0x0] =	vst.idx.msk $0xffff, v15  }
0x149: {  	v15 =	vor.u32 s2, v0;
	v14 =	vld.idx.msk [tilespmem:v17+s19+$0x0], $0xffff  }
0x14a: {  	v17 =	vor.u32 v11, v15  }
0x14b: {  	v18 =	vor.u32 v16, v4;
	_ =	sdelay $0x3  }
0x14c: {  	[tilespmem:v17+s20+$0x0] =	vst.idx.msk $0xffff, v14  }
0x14d: {  	v14 =	vld.idx.msk [tilespmem:v18+s19+$0x0], $0xffff  }
0x14e: {  	v17 =	vor.u32 v12, v15  }
0x14f: {  	v18 =	vor.u32 v16, v6;
	_ =	sdelay $0x3  }
0x150: {  	[tilespmem:v17+s20+$0x0] =	vst.idx.msk $0xffff, v14  }
0x151: {  	v14 =	vld.idx.msk [tilespmem:v18+s19+$0x0], $0xffff  }
0x152: {  	v17 =	vor.u32 v13, v15  }
0x153: {  	v16 =	vor.u32 v16, v8;
	_ =	sdelay $0x2  }
0x154: {  	s2 =	sadd.s32 $0xFFFFFFF0, s15  }
0x155: {  	[tilespmem:v17+s20+$0x0] =	vst.idx.msk $0xffff, v14;
	v14 =	vmov s2  }
0x156: {  	v16 =	vld.idx.msk [tilespmem:v16+s19+$0x0], $0xffff;
	v14 =	vshll.u32 v14, $0x6  }
0x157: {  	v15 =	vor.u32 v10, v15;
	v14 =	vor.u32 v1, v14  }
0x158: {  	v17 =	vor.u32 v14, v2;
	_ =	sdelay $0x3  }
0x159: {  	s2 =	sand.u32 $0x60, s2;
	[tilespmem:v15+s20+$0x0] =	vst.idx.msk $0xffff, v16  }
0x15a: {  	v16 =	vor.u32 s2, v0;
	v15 =	vld.idx.msk [tilespmem:v17+s19+$0x0], $0xffff  }
0x15b: {  	v17 =	vor.u32 v11, v16  }
0x15c: {  	v18 =	vor.u32 v14, v4;
	_ =	sdelay $0x3  }
0x15d: {  	[tilespmem:v17+s20+$0x0] =	vst.idx.msk $0xffff, v15  }
0x15e: {  	v15 =	vld.idx.msk [tilespmem:v18+s19+$0x0], $0xffff  }
0x15f: {  	v17 =	vor.u32 v12, v16  }
0x160: {  	v18 =	vor.u32 v14, v6;
	_ =	sdelay $0x3  }
0x161: {  	[tilespmem:v17+s20+$0x0] =	vst.idx.msk $0xffff, v15  }
0x162: {  	v15 =	vld.idx.msk [tilespmem:v18+s19+$0x0], $0xffff  }
0x163: {  	v17 =	vor.u32 v13, v16  }
0x164: {  	v14 =	vor.u32 v14, v8;
	_ =	sdelay $0x3  }
0x165: {  	[tilespmem:v17+s20+$0x0] =	vst.idx.msk $0xffff, v15;
	v15 =	vmov s15  }
0x166: {  	v14 =	vld.idx.msk [tilespmem:v14+s19+$0x0], $0xffff;
	v15 =	vshll.u32 v15, $0x6  }
0x167: {  	v16 =	vor.u32 v10, v16;
	v15 =	vor.u32 v1, v15  }
0x168: {  	v17 =	vor.u32 v15, v2;
	_ =	sdelay $0x3  }
0x169: {  	s2 =	sand.u32 $0x70, s15;
	[tilespmem:v16+s20+$0x0] =	vst.idx.msk $0xffff, v14  }
0x16a: {  	v14 =	vor.u32 s2, v0;
	v16 =	vld.idx.msk [tilespmem:v17+s19+$0x0], $0xffff  }
0x16b: {  	v11 =	vor.u32 v11, v14  }
0x16c: {  	v17 =	vor.u32 v15, v4;
	_ =	sdelay $0x3  }
0x16d: {  	[tilespmem:v11+s20+$0x0] =	vst.idx.msk $0xffff, v16  }
0x16e: {  	v11 =	vld.idx.msk [tilespmem:v17+s19+$0x0], $0xffff  }
0x16f: {  	v12 =	vor.u32 v12, v14  }
0x170: {  	v16 =	vor.u32 v15, v6;
	_ =	sdelay $0x3  }
0x171: {  	[tilespmem:v12+s20+$0x0] =	vst.idx.msk $0xffff, v11  }
.Ltmp2:
0x172: {  	v11 =	vld.idx.msk [tilespmem:v16+s19+$0x0], $0xffff;
	(pc) =	sbr.rel @p0 .LBB2_8-.Ltmp2, $3  }
0x173: {  	v13 =	vor.u32 v13, v14  }
0x174: {  	v12 =	vor.u32 v15, v8;
	_ =	sdelay $0x1  }
0x175: {  	s15 =	sadd.s32 $0x40, s15  }
0x176: {  	_ =	sdelay $0x3  }
0x177: {  	[tilespmem:v13+s20+$0x0] =	vst.idx.msk $0xffff, v11;
	s5 =	sadd.s32 $0x1, s5  }
0x178: {  	v3 =	vor.u32 v10, v14;
	v2 =	vld.idx.msk [tilespmem:v12+s19+$0x0], $0xffff;
	p0 =	sne.s32 s5, $0x10  }
.Ltmp3:
0x179: {  	_ = 	snop;
	(pc) =	sbr.rel @p0 .LBB2_7-.Ltmp3, $2  }
0x17a: {  	_ =	sdelay $0x2  }
0x17b: {  	[tilespmem:v3+s20+$0x0] =	vst.idx.msk $0xffff, v2  }
0x17c: {  	s2 =	sshll.u32 s0, $0x9;
	s15 =	sshll.u32 s0, $0xC  }
0x17d: {  	s2 =	sand.u32 $0x3E00, s2;
	s0 =	sand.u32 $0xFFE0000, s15  }
0x17e: {  	s0 =	sor.u32 s2, s0  }
0x17f: {  	s2 =	sadd.s32 s31, s0  }
0x180: {  	[hbm4b:s2+s3] =	stream.linear.scatter [tilespmem:s20], [sflag:$0x3], $0x1000, $0x38;
	[tilespmem:$0x1E400] =	vst v63  }
0x181: {  	s16 =	sadd.s32 s0, s7  }
0x182: {  	[hbm4b:s16+s3] =	stream.linear.scatter [tilespmem:s21], [sflag:$0x3], $0x1000, $0x38;
	[tilespmem:$0x1E400] =	vst v63  }
0x183: {  	s5 =	sadd.s32 s0, s8  }
0x184: {  	[hbm4b:s5+s3] =	stream.linear.scatter [tilespmem:s22], [sflag:$0x3], $0x1000, $0x38;
	[tilespmem:$0x1E400] =	vst v63  }
0x185: {  	s14 =	sadd.s32 s0, s9  }
0x186: {  	[hbm4b:s14+s3] =	stream.linear.scatter [tilespmem:s23], [sflag:$0x3], $0x1000, $0x38;
	[tilespmem:$0x1E400] =	vst v63  }
0x187: {  	s1 =	sadd.s32 $0x1, s1;
	s15 =	sadd.s32 s0, s10  }
0x188: {  	[hbm4b:s15+s3] =	stream.linear.scatter [tilespmem:s24], [sflag:$0x3], $0x1000, $0x38;
	[tilespmem:$0x1E400] =	vst v63  }
0x189: {  	p0 =	sne.s32 s1, $0x19;
	s16 =	sadd.s32 s0, s11  }
0x18a: {  	[hbm4b:s16+s3] =	stream.linear.scatter [tilespmem:s25], [sflag:$0x3], $0x1000, $0x38;
	[tilespmem:$0x1E400] =	vst v63  }
.Ltmp4:
0x18b: {  	_ = 	snop;
	(pc) =	sbr.rel @p0 .LBB2_2-.Ltmp4, $4  }
0x18c: {  	s21 =	sadd.s32 s0, s12  }
0x18d: {  	[hbm4b:s21+s3] =	stream.linear.scatter [tilespmem:s26], [sflag:$0x3], $0x1000, $0x38;
	[tilespmem:$0x1E400] =	vst v63  }
0x18e: {  	s0 =	sadd.s32 s0, s13  }
0x18f: {  	[hbm4b:s0+s3] =	stream.linear.scatter [tilespmem:s28], [sflag:$0x3], $0x1000, $0x38;
	[tilespmem:$0x1E400] =	vst v63  }
0x190: {  	_ =	swait.ge [sflag:s30], $0x1000  }
0x191: {  	[sflag:s30] =	ssyncset.done $0x0  }
0x192: {  	[sflag:s30] =	ssyncadd.s32 $0xFFFFF000  }
0x193: {  	_ =	swait.ge [sflag:s30], $0x1000  }
0x194: {  	[sflag:s30] =	ssyncset.done $0x0  }
0x195: {  	[sflag:s30] =	ssyncadd.s32 $0xFFFFF000  }
0x196: {  	_ =	swait.ge [sflag:s30], $0x1000  }
0x197: {  	[sflag:s30] =	ssyncset.done $0x0  }
0x198: {  	[sflag:s30] =	ssyncadd.s32 $0xFFFFF000  }
0x199: {  	_ =	swait.ge [sflag:s30], $0x1000  }
0x19a: {  	[sflag:s30] =	ssyncset.done $0x0  }
0x19b: {  	[sflag:s30] =	ssyncadd.s32 $0xFFFFF000  }
0x19c: {  	_ =	swait.ge [sflag:s30], $0x1000  }
0x19d: {  	[sflag:s30] =	ssyncset.done $0x0  }
0x19e: {  	[sflag:s30] =	ssyncadd.s32 $0xFFFFF000  }
0x19f: {  	_ =	swait.ge [sflag:s30], $0x1000  }
0x1a0: {  	[sflag:s30] =	ssyncset.done $0x0  }
0x1a1: {  	[sflag:s30] =	ssyncadd.s32 $0xFFFFF000  }
0x1a2: {  	_ =	swait.ge [sflag:s30], $0x1000  }
0x1a3: {  	[sflag:s30] =	ssyncset.done $0x0  }
0x1a4: {  	[sflag:s30] =	ssyncadd.s32 $0xFFFFF000  }
0x1a5: {  	_ =	swait.ge [sflag:s30], $0x1000  }
0x1a6: {  	s1 =	rddreg [dreg:$0x6]  }
0x1a7: {  	s0 =	rddreg [dreg:$0x5];
	s1 =	sadd.s32 $0x1, s1  }
0x1a8: {  	p0 =	sne.s32 s1, s0  }
.Ltmp5:
0x1a9: {  	_ = 	snop;
	(pc) =	sbr.rel @p0 .LBB2_1-.Ltmp5, $3  }
0x1aa: {  	_ =	sdelay $0x1  }
0x1ab: {  	[sflag:s30] =	ssyncset.done $0x0  }
0x1ac: {  	[sflag:s30] =	ssyncadd.s32 $0xFFFFF000  }
0x1ad: {  	_ =	sfence.sel $0x180000  }
0x1ae: {  	[bflag:$0x0] =	sbarrier.arrive $0xFFFF  }
0x1af: {  	_ =	strace $0x90000047  }
0x1b0: {  	s0 =	stileid.u32;
	[bflag:$0x2] =	sbarrier.arrive $0xFFFF  }
0x1b1: {  	p0 =	sne.s32 s0, $0x0;
	s0 =	rddreg [dreg:$0x3]  }
0x1b2: {  	s0 =	sadd.s32 @!p0 $0x100000, s0  }
0x1b3: {  	[sflag:s0] =	ssyncadd.tile.s32 @!p0 $0x1;
	_ =	shalt  }
.Lfunc_end2:
_tile_overlayer_lowered:
.L_overlay_start_2:
0x1b4: {  	(tag) =	ssettag $0x2  }
0x1b5: {  	s0 =	rddreg [dreg:$0x0];
	s2 =	stileid.u32  }
0x1b6: {  	s1 =	rddreg [dreg:$0x1];
	p0 =	sne.s32 s2, $0x0  }
0x1b7: {  	s3 =	rddreg [dreg:$0x2];
	[bflag:$0x3] =	sbarrier.arrive $0xFFFF;
	s2 =	simm.s32 @!p0 $0x1C04  }
0x1b8: {  	[timem:s3], [sflag:s2] =	dma.local @!p0 [hbm:s0], s1  }
0x1b9: {  	s0 =	simm.s32 @!p0 $0x4  }
0x1ba: {  	_ =	swait.ge @!p0 [sflag:s0], s1  }
0x1bb: {  	s1 =	ssub.s32 @!p0 $0x0, s1;
	[sflag:s0] =	ssyncset.done @!p0 $0x0  }
0x1bc: {  	[sflag:s0] =	ssyncadd.s32 @!p0 s1  }
0x1bd: {  	[bflag:$0x3] =	sbarrier.arrive $0xFFFF  }
0x1be: {  	_ =	shalt  }

</sc_bundles>
